<compile_context>
chip_gen: v7x
topology: tpu7x:2x2x1
jax: 0.10.2.dev20260603
libtpu: 0.0.44.dev20260713+nightly
codegen_flags: <defaults>
</compile_context>

<pallas_src>
import dataclasses

import numpy as np
import jax
import jax.numpy as jnp
from jax import lax
from jax.experimental import pallas as pl
from jax.experimental.pallas import tpu as pltpu
from jax.experimental.pallas import tpu_sc as plsc

_N_BINS = 32
_R = 1.2
_BOUND = 10.0
_BETA = 1e-06
_D = 128
_N_ROWS = 262144
_N = _N_ROWS * _D

_G = 2048
_BLK = 16384


def _make_mesh_np():
    m = _N_BINS / 2
    x1L = _BOUND * (_R - 1.0) / (_R ** m - 1.0)
    index = np.arange(0, _N_BINS + 1, dtype=np.float64) - m
    xr = (1.0 - np.power(_R, np.abs(index))) / (1.0 - _R)
    xr = np.where(index >= 0, x1L * xr, -x1L * xr)
    xr = (xr + _BOUND) / (2.0 * _BOUND)
    return np.concatenate([[0.0], xr[1:-1], [1.0]]).astype(np.float32)


_MESH = _make_mesh_np()
_ELMT = (_MESH[1:] - _MESH[:-1]).astype(np.float32)

_KLUT1 = np.zeros(2052, np.int32)
_KLUT1[0] = 32 * 128
_left = (np.arange(1, _G + 1, dtype=np.float64) - 1.0) / _G
_kl = np.searchsorted(_MESH.astype(np.float64), _left, side="right") - 1
_KLUT1[1:_G + 1] = np.clip(_kl, 0, 31).astype(np.int32) * 128
_KLUT1[_G + 1:] = 33 * 128
_KLUT = np.repeat(_KLUT1, 16)

_ELMT_COL = _ELMT[:, None]
_W_COL = ((_ELMT_COL[:-1] + _ELMT_COL[1:]) * np.float32(0.5))
_UK_COL = (np.float32(20.0) * _MESH[:32, None]
           - np.float32(10.0)).astype(np.float32)
_TRI = np.tril(np.ones((32, 32), np.float32), -1)
_NORM_NUM = np.float32(1.0 - (float(_ELMT[0]) + float(_ELMT[31])) * _BETA / 2.0)


def _prep_body(p_ref, w_ref, elmt_ref, uk_ref, tri_ref, tab_ref):
    p = p_ref[...]
    _w_col = w_ref[...]
    _elmt_col = elmt_ref[...]
    _uk_col = uk_ref[...]
    _tri = tri_ref[...]
    pe = jnp.exp(p)
    s = jnp.sum(pe * _w_col, axis=0, keepdims=True)
    px = (_NORM_NUM / s) * pe
    beta_row = jnp.full((1, _D), _BETA, jnp.float32)
    pdf = jnp.concatenate([beta_row, px, beta_row], 0)
    cell = (pdf[:-1] + pdf[1:]) * jnp.float32(0.5) * _elmt_col
    f_ref = jnp.dot(_tri, cell, precision=lax.Precision.HIGHEST,
                    preferred_element_type=jnp.float32)
    g = (pdf[1:] - pdf[:-1]) / _elmt_col
    v1 = pdf[:-1]
    a = g * jnp.float32(1.0 / 40.0)
    b = v1 - jnp.float32(2.0) * a * _uk_col
    c = (jnp.float32(20.0) * f_ref - jnp.float32(10.0)) + (a * _uk_col - v1) * _uk_col
    zeros2 = jnp.zeros((2, _D), jnp.float32)
    a_full = jnp.concatenate([a, zeros2], 0)
    b_full = jnp.concatenate([b, jnp.full((2, _D), _BETA, jnp.float32)], 0)
    c_full = jnp.concatenate(
        [c,
         jnp.full((1, _D), 10.0 * _BETA - 10.0, jnp.float32),
         jnp.full((1, _D), 10.0 - 10.0 * _BETA, jnp.float32)], 0)
    tab_ref[...] = jnp.stack([a_full, b_full, c_full], 0)


def _prep_tables(p):
    return pl.pallas_call(
        _prep_body,
        out_shape=jax.ShapeDtypeStruct((3, 34, _D), jnp.float32),
    )(p, jnp.asarray(_W_COL), jnp.asarray(_ELMT_COL),
      jnp.asarray(_UK_COL), jnp.asarray(_TRI))


def _sc_body(x_hbm, klut_hbm, ta_hbm, tb_hbm, tc_hbm, o_hbm,
             klut_v, ta_v, tb_v, tc_v):
    pltpu.sync_copy(klut_hbm, klut_v)
    pltpu.sync_copy(ta_hbm, ta_v)
    pltpu.sync_copy(tb_hbm, tb_v)
    pltpu.sync_copy(tc_hbm, tc_v)

    def body(in_v, out_v):
        @plsc.parallel_loop(0, _BLK // 16, unroll=8)
        def _vec(i):
            base = i * 16
            sl = pl.ds(base, 16)
            u = in_v[sl]
            t = u * jnp.float32(102.4) + jnp.float32(1025.0)
            t = jnp.minimum(jnp.maximum(t, jnp.float32(0.0)),
                            jnp.float32(2049.0))
            cidx = t.astype(jnp.int32)
            lane = lax.iota(jnp.int32, 16)
            k = plsc.load_gather(klut_v, [(cidx << 4) + lane])
            idx = k + (lane + (base & (_D - 16)))
            a = plsc.load_gather(ta_v, [idx])
            b = plsc.load_gather(tb_v, [idx])
            c = plsc.load_gather(tc_v, [idx])
            out_v[sl] = (a * u + b) * u + c

    pltpu.emit_pipeline(
        body,
        grid=(_N // _BLK,),
        in_specs=[pl.BlockSpec((_BLK,), lambda i: (i,))],
        out_specs=[pl.BlockSpec((_BLK,), lambda i: (i,))],
        core_axis_name=("core", "subcore"),
        dimension_semantics=(pltpu.PARALLEL,),
        trace_scopes=False,
    )(x_hbm, o_hbm)


@jax.jit
def kernel(inputs, p):
    tab = _prep_tables(p)
    ta = tab[0].reshape(-1)
    tb = tab[1].reshape(-1)
    tc = tab[2].reshape(-1)
    klut = jnp.asarray(_KLUT)
    mesh = plsc.VectorSubcoreMesh(core_axis_name="core",
                                  subcore_axis_name="subcore")
    cp = pltpu.CompilerParams()
    if "needs_layout_passes" in pltpu.CompilerParams.__dataclass_fields__:
        cp = dataclasses.replace(cp, needs_layout_passes=False)
    run = pl.kernel(
        _sc_body,
        out_type=jax.ShapeDtypeStruct((_N,), jnp.float32),
        mesh=mesh,
        compiler_params=cp,
        scratch_types=[
            pltpu.VMEM((_KLUT.size,), jnp.int32),
            pltpu.VMEM((34 * _D,), jnp.float32),
            pltpu.VMEM((34 * _D,), jnp.float32),
            pltpu.VMEM((34 * _D,), jnp.float32),
        ],
    )
    out_flat = run(inputs.reshape(_N), klut, ta, tb, tc)
    return out_flat.reshape(_N_ROWS, _D)

# --- scband reference (transcript-rebuilt; emitter-appended) ---
"""Pipeline reference for scband-cdf-quadratic-20031727468853 (READ-ONLY COPY).

The authoritative reference and input builder live on the scoring server;
editing this copy changes nothing except your own understanding.
"""

import jax, jax.numpy as jnp
import numpy as np

N_BINS = 32
R = 1.2
BOUND = 10.0
BETA = 1e-06
INPUT_DIM = 128
N_ROWS = 262144


def _make_mesh():
    m = N_BINS / 2
    x1L = BOUND * (R - 1.0) / (R ** m - 1.0)
    index = np.arange(0, N_BINS + 1, dtype=np.float64) - m
    xr = (1.0 - np.power(R, np.abs(index))) / (1.0 - R)
    xr = np.where(index >= 0, x1L * xr, -x1L * xr)
    xr = (xr + BOUND) / (2.0 * BOUND)
    mesh = np.concatenate([[0.0], xr[1:-1], [1.0]]).astype(np.float32)
    return jnp.asarray(mesh)


MESH = _make_mesh()              # [n_bins + 1]
ELMT = MESH[1:] - MESH[:-1]      # [n_bins]


def setup_inputs(seed: int = 0) -> dict:
    key = jax.random.key(seed)
    k1, k2 = jax.random.split(key)
    inputs = jax.random.normal(k1, (N_ROWS, INPUT_DIM), dtype=jnp.float32)
    p = jax.random.normal(k2, (N_BINS - 1, INPUT_DIM), dtype=jnp.float32) * 0.1
    return {"inputs": inputs, "p": p}


def _pdf_normalize(p):
    d = p.shape[1]
    e = ELMT[:, None]  # [n_bins, 1]
    p0 = jnp.ones((1, d), dtype=jnp.float32) * BETA
    px = jnp.exp(p) * (e[:-1] + e[1:]) / 2.0
    norm = (1.0 - (e[0] + e[-1]) * BETA / 2.0) / jnp.sum(px, axis=0, keepdims=True)
    px = norm * jnp.exp(p)
    pdf = jnp.concatenate([p0, px, p0], axis=0)          # [n_bins + 1, d]
    cell = (pdf[:-1] + pdf[1:]) / 2.0 * e                # [n_bins, d]
    F_ref = jnp.concatenate(
        [jnp.zeros((1, d), dtype=jnp.float32), jnp.cumsum(cell, axis=0)[: N_BINS - 1]],
        axis=0,
    )                                                    # [n_bins, d]
    return pdf, F_ref


def _cdf(x, pdf, F_ref):
    # binning: searchsorted of each element against the shared monotone mesh
    k_ind = jnp.searchsorted(MESH, x, side='right') - 1   # [N, d] ints
    cover = (k_ind * (k_ind - N_BINS + 1)) <= 0
    k_ind = jnp.clip(k_ind, 0, N_BINS - 1)
    v1 = jnp.take_along_axis(pdf, k_ind, axis=0)
    v2 = jnp.take_along_axis(pdf, k_ind + 1, axis=0)
    xmodi = x - MESH[k_ind]
    h = ELMT[k_ind]
    F_pre = jnp.take_along_axis(F_ref, k_ind, axis=0)
    y = jnp.where(cover, F_pre + xmodi ** 2 / 2.0 * (v2 - v1) / h + xmodi * v1, x)
    return y


def reference(inputs, p):
    pdf, F_ref = _pdf_normalize(p)
    x = (inputs + BOUND) / 2.0 / BOUND
    x = _cdf(x, pdf, F_ref)
    x = x * 2.0 * BOUND - BOUND
    x = jnp.where(x > BOUND, BETA * (x - BOUND) + BOUND, x)
    x = jnp.where(x < -BOUND, BETA * (x + BOUND) - BOUND, x)
    return x

if __name__ == "__main__":
    import jax
    _d = setup_inputs()
    print(jax.jit(kernel)(*tuple(_d.values())))

</pallas_src>

<mosaic_0001>
#map = affine_map<(d0, d1) -> (0)>
module attributes {stable_mosaic.version = 14 : i64} {
  func.func @_sc_body(%arg0: i32, %arg1: i32, %arg2: memref<33554432xf32, #tpu.memory_space<hbm>>, %arg3: memref<32832xi32, #tpu.memory_space<hbm>>, %arg4: memref<4352xf32, #tpu.memory_space<hbm>>, %arg5: memref<4352xf32, #tpu.memory_space<hbm>>, %arg6: memref<4352xf32, #tpu.memory_space<hbm>>, %arg7: memref<33554432xf32, #tpu.memory_space<hbm>>, %arg8: memref<32832xi32, #tpu.memory_space<vmem>>, %arg9: memref<4352xf32, #tpu.memory_space<vmem>>, %arg10: memref<4352xf32, #tpu.memory_space<vmem>>, %arg11: memref<4352xf32, #tpu.memory_space<vmem>>) attributes {dimension_semantics = [#tpu.dimension_semantics<core_parallel>, #tpu.dimension_semantics<subcore_parallel>], iteration_bounds = array<i64: 2, 16>, scalar_prefetch = 0 : i64, scratch_operands = 4 : i64, tpu.core_type = #tpu.core_type<sc_vector_subcore>, window_params = [{transform_indices = #map}, {transform_indices = #map}, {transform_indices = #map}, {transform_indices = #map}, {transform_indices = #map}, {transform_indices = #map}]} {
    "tpu.region"() ({
      %run_scoped3A = tpu.sem_alloc : memref<!tpu.dma_semaphore, #tpu.memory_space<semaphore_mem>>
      tpu.enqueue_dma source(%arg3 : memref<32832xi32, #tpu.memory_space<hbm>>) target(%arg8 : memref<32832xi32, #tpu.memory_space<vmem>>) target_semaphore(%run_scoped3A : memref<!tpu.dma_semaphore, #tpu.memory_space<semaphore_mem>>)
      tpu.wait_dma2 semaphore(%run_scoped3A : memref<!tpu.dma_semaphore, #tpu.memory_space<semaphore_mem>>) src(%arg3 : memref<32832xi32, #tpu.memory_space<hbm>>) dst(%arg8 : memref<32832xi32, #tpu.memory_space<vmem>>)
      tpu.yield
    }) : () -> ()
    "tpu.region"() ({
      %run_scoped3A = tpu.sem_alloc : memref<!tpu.dma_semaphore, #tpu.memory_space<semaphore_mem>>
      tpu.enqueue_dma source(%arg4 : memref<4352xf32, #tpu.memory_space<hbm>>) target(%arg9 : memref<4352xf32, #tpu.memory_space<vmem>>) target_semaphore(%run_scoped3A : memref<!tpu.dma_semaphore, #tpu.memory_space<semaphore_mem>>)
      tpu.wait_dma2 semaphore(%run_scoped3A : memref<!tpu.dma_semaphore, #tpu.memory_space<semaphore_mem>>) src(%arg4 : memref<4352xf32, #tpu.memory_space<hbm>>) dst(%arg9 : memref<4352xf32, #tpu.memory_space<vmem>>)
      tpu.yield
    }) : () -> ()
    "tpu.region"() ({
      %run_scoped3A = tpu.sem_alloc : memref<!tpu.dma_semaphore, #tpu.memory_space<semaphore_mem>>
      tpu.enqueue_dma source(%arg5 : memref<4352xf32, #tpu.memory_space<hbm>>) target(%arg10 : memref<4352xf32, #tpu.memory_space<vmem>>) target_semaphore(%run_scoped3A : memref<!tpu.dma_semaphore, #tpu.memory_space<semaphore_mem>>)
      tpu.wait_dma2 semaphore(%run_scoped3A : memref<!tpu.dma_semaphore, #tpu.memory_space<semaphore_mem>>) src(%arg5 : memref<4352xf32, #tpu.memory_space<hbm>>) dst(%arg10 : memref<4352xf32, #tpu.memory_space<vmem>>)
      tpu.yield
    }) : () -> ()
    "tpu.region"() ({
      %run_scoped3A = tpu.sem_alloc : memref<!tpu.dma_semaphore, #tpu.memory_space<semaphore_mem>>
      tpu.enqueue_dma source(%arg6 : memref<4352xf32, #tpu.memory_space<hbm>>) target(%arg11 : memref<4352xf32, #tpu.memory_space<vmem>>) target_semaphore(%run_scoped3A : memref<!tpu.dma_semaphore, #tpu.memory_space<semaphore_mem>>)
      tpu.wait_dma2 semaphore(%run_scoped3A : memref<!tpu.dma_semaphore, #tpu.memory_space<semaphore_mem>>) src(%arg6 : memref<4352xf32, #tpu.memory_space<hbm>>) dst(%arg11 : memref<4352xf32, #tpu.memory_space<vmem>>)
      tpu.yield
    }) : () -> ()
    %mul3A = arith.constant 1 : i32
    %mul3A_0 = arith.muli %arg1, %mul3A : i32
    %add3A = arith.constant 0 : i32
    %add3A_1 = arith.addi %add3A, %mul3A_0 : i32
    %mul3A_2 = arith.constant 16 : i32
    %mul3A_3 = arith.muli %arg0, %mul3A_2 : i32
    %add3A_4 = arith.addi %add3A_1, %mul3A_3 : i32
    %mul3A_5 = arith.constant 64 : i32
    %mul3A_6 = arith.muli %add3A_4, %mul3A_5 : i32
    "tpu.region"() ({
      %run_scoped3A = memref.alloca() : memref<32768xf32, #tpu.memory_space<vmem>>
      %run_scoped3A_7 = tpu.sem_alloc : memref<2x!tpu.dma_semaphore, #tpu.memory_space<semaphore_mem>>
      %run_scoped3A_8 = memref.alloca() : memref<32768xf32, #tpu.memory_space<vmem>>
      %run_scoped3A_9 = tpu.sem_alloc : memref<2x!tpu.dma_semaphore, #tpu.memory_space<semaphore_mem>>
      %add3A_10 = arith.constant 0 : i32
      %add3A_11 = arith.addi %add3A_10, %mul3A_6 : i32
      %select_n3A = arith.constant true
      %select_n3A_12 = arith.constant 0 : i32
      %select_n3A_13 = arith.constant -1 : i32
      %select_n3A_14 = arith.select %select_n3A, %select_n3A_13, %select_n3A_12 : i32
      %eq3A = arith.constant -1 : i32
      %eq3A_15 = arith.cmpi eq, %select_n3A_14, %eq3A : i32
      %select_n3A_16 = arith.constant 63 : i32
      %select_n3A_17 = arith.select %eq3A_15, %select_n3A_16, %select_n3A_14 : i32
      %add3A_18 = arith.addi %select_n3A_17, %mul3A_6 : i32
      %select_n3A_19 = arith.constant true
      %select_n3A_20 = arith.constant 0 : i32
      %select_n3A_21 = arith.constant 1 : i32
      %select_n3A_22 = arith.select %select_n3A_19, %select_n3A_21, %select_n3A_20 : i32
      %eq3A_23 = arith.constant 64 : i32
      %eq3A_24 = arith.cmpi eq, %select_n3A_22, %eq3A_23 : i32
      %select_n3A_25 = arith.constant 0 : i32
      %select_n3A_26 = arith.select %eq3A_24, %select_n3A_25, %select_n3A_22 : i32
      %add3A_27 = arith.addi %select_n3A_26, %mul3A_6 : i32
      %add3A_28 = arith.constant 1 : i32
      %add3A_29 = arith.addi %select_n3A_26, %add3A_28 : i32
      %select_n3A_30 = arith.constant true
      %select_n3A_31 = arith.select %select_n3A_30, %add3A_29, %select_n3A_26 : i32
      %eq3A_32 = arith.constant 64 : i32
      %eq3A_33 = arith.cmpi eq, %select_n3A_31, %eq3A_32 : i32
      %select_n3A_34 = arith.constant 0 : i32
      %select_n3A_35 = arith.select %eq3A_33, %select_n3A_34, %select_n3A_31 : i32
      %add3A_36 = arith.addi %select_n3A_35, %mul3A_6 : i32
      %rem3A = arith.constant 0 : i32
      %rem3A_37 = arith.constant 2 : i32
      %rem3A_38 = arith.remui %rem3A, %rem3A_37 : i32
      %mul3A_39 = arith.constant 16384 : i32
      %mul3A_40 = arith.muli %mul3A_39, %add3A_11 : i32
      %mul3A_41 = arith.constant 16384 : i32
      %mul3A_42 = arith.muli %rem3A_38, %mul3A_41 : i32
      %add3A_43 = arith.constant 0 : i32
      %add3A_44 = arith.addi %mul3A_42, %add3A_43 : i32
      %dma_start3A = tpu.memref_slice %run_scoped3A[%add3A_44] : memref<32768xf32, #tpu.memory_space<vmem>> -> memref<16384xf32, #tpu.memory_space<vmem>>
      %dma_start3A_45 = tpu.memref_slice %arg2[%mul3A_40] : memref<33554432xf32, #tpu.memory_space<hbm>> -> memref<16384xf32, #tpu.memory_space<hbm>>
      %dma_start3A_46 = tpu.memref_slice %run_scoped3A_7[%rem3A_38] : memref<2x!tpu.dma_semaphore, #tpu.memory_space<semaphore_mem>> -> memref<1x!tpu.dma_semaphore, #tpu.memory_space<semaphore_mem>>
      %dma_start3A_47 = tpu.memref_squeeze %dma_start3A_46 : memref<1x!tpu.dma_semaphore, #tpu.memory_space<semaphore_mem>> -> memref<!tpu.dma_semaphore, #tpu.memory_space<semaphore_mem>>
      %dma_start3A_48 = tpu.memref_slice %run_scoped3A[%add3A_44] : memref<32768xf32, #tpu.memory_space<vmem>> -> memref<16384xf32, #tpu.memory_space<vmem>>
      %dma_start3A_49 = tpu.memref_slice %arg2[%mul3A_40] : memref<33554432xf32, #tpu.memory_space<hbm>> -> memref<16384xf32, #tpu.memory_space<hbm>>
      tpu.enqueue_dma source(%dma_start3A_49 : memref<16384xf32, #tpu.memory_space<hbm>>) target(%dma_start3A_48 : memref<16384xf32, #tpu.memory_space<vmem>>) target_semaphore(%dma_start3A_47 : memref<!tpu.dma_semaphore, #tpu.memory_space<semaphore_mem>>)
      %add3A_50 = arith.constant 0 : i32
      %add3A_51 = arith.constant 1 : i32
      %add3A_52 = arith.addi %add3A_50, %add3A_51 : i32
      %select_n3A_53 = arith.constant true
      %select_n3A_54 = arith.constant 0 : i32
      %select_n3A_55 = arith.select %select_n3A_53, %add3A_52, %select_n3A_54 : i32
      %scan3A = arith.constant 0 : i32
      %scan3A_56 = arith.constant 0 : i32
      %scan3A_57 = arith.constant 0 : i32
      %scan3A_58 = arith.constant 0 : i32
      %scan3A_59 = arith.constant 0 : i32
      %scan3A_60 = arith.constant 64 : i32
      %scan3A_61 = arith.addi %scan3A_59, %scan3A_60 : i32
      %scan3A_62 = arith.constant 1 : i32
      %scan3A_63:5 = scf.for %scan3A_113 = %scan3A_59 to %scan3A_61 step %scan3A_62 iter_args(%scan3A_114 = %select_n3A_55, %scan3A_115 = %scan3A, %scan3A_116 = %scan3A_56, %scan3A_117 = %scan3A_57, %scan3A_118 = %scan3A_58) -> (i32, i32, i32, i32, i32)  : i32 {
        %eq3A_119 = arith.constant 0 : i32
        %eq3A_120 = arith.cmpi eq, %scan3A_113, %eq3A_119 : i32
        %eq3A_121 = arith.constant 63 : i32
        %eq3A_122 = arith.cmpi eq, %scan3A_113, %eq3A_121 : i32
        %add3A_123 = arith.addi %scan3A_118, %mul3A_6 : i32
        %sub3A_124 = arith.constant 1 : i32
        %sub3A_125 = arith.subi %scan3A_118, %sub3A_124 : i32
        %select_n3A_126 = arith.constant true
        %select_n3A_127 = arith.select %select_n3A_126, %sub3A_125, %scan3A_118 : i32
        %eq3A_128 = arith.constant -1 : i32
        %eq3A_129 = arith.cmpi eq, %select_n3A_127, %eq3A_128 : i32
        %select_n3A_130 = arith.constant 63 : i32
        %select_n3A_131 = arith.select %eq3A_129, %select_n3A_130, %select_n3A_127 : i32
        %add3A_132 = arith.addi %select_n3A_131, %mul3A_6 : i32
        %add3A_133 = arith.constant 1 : i32
        %add3A_134 = arith.addi %scan3A_118, %add3A_133 : i32
        %select_n3A_135 = arith.constant true
        %select_n3A_136 = arith.select %select_n3A_135, %add3A_134, %scan3A_118 : i32
        %eq3A_137 = arith.constant 64 : i32
        %eq3A_138 = arith.cmpi eq, %select_n3A_136, %eq3A_137 : i32
        %select_n3A_139 = arith.constant 0 : i32
        %select_n3A_140 = arith.select %eq3A_138, %select_n3A_139, %select_n3A_136 : i32
        %add3A_141 = arith.addi %select_n3A_140, %mul3A_6 : i32
        %add3A_142 = arith.constant 1 : i32
        %add3A_143 = arith.addi %select_n3A_140, %add3A_142 : i32
        %select_n3A_144 = arith.constant true
        %select_n3A_145 = arith.select %select_n3A_144, %add3A_143, %select_n3A_140 : i32
        %eq3A_146 = arith.constant 64 : i32
        %eq3A_147 = arith.cmpi eq, %select_n3A_145, %eq3A_146 : i32
        %select_n3A_148 = arith.constant 0 : i32
        %select_n3A_149 = arith.select %eq3A_147, %select_n3A_148, %select_n3A_145 : i32
        %add3A_150 = arith.addi %select_n3A_149, %mul3A_6 : i32
        %ne3A = arith.cmpi ne, %add3A_123, %add3A_141 : i32
        %or3A = arith.constant false
        %or3A_151 = arith.ori %or3A, %ne3A : i1
        %ge3A = arith.constant 63 : i32
        %ge3A_152 = arith.cmpi sge, %scan3A_113, %ge3A : i32
        %not3A = arith.constant true
        %not3A_153 = arith.xori %ge3A_152, %not3A : i1
        %and3A = arith.andi %or3A_151, %not3A_153 : i1
        %convert_element_type3A = arith.extui %and3A : i1 to i32
        %cond3A = arith.constant 0 : i32
        %cond3A_154 = arith.cmpi ne, %convert_element_type3A, %cond3A : i32
        scf.if %cond3A_154 {
          %rem3A_253 = arith.constant 2 : i32
          %rem3A_254 = arith.remui %scan3A_114, %rem3A_253 : i32
          %mul3A_255 = arith.constant 16384 : i32
          %mul3A_256 = arith.muli %mul3A_255, %add3A_141 : i32
          %mul3A_257 = arith.constant 16384 : i32
          %mul3A_258 = arith.muli %rem3A_254, %mul3A_257 : i32
          %add3A_259 = arith.constant 0 : i32
          %add3A_260 = arith.addi %mul3A_258, %add3A_259 : i32
          %dma_start3A_261 = tpu.memref_slice %run_scoped3A[%add3A_260] : memref<32768xf32, #tpu.memory_space<vmem>> -> memref<16384xf32, #tpu.memory_space<vmem>>
          %dma_start3A_262 = tpu.memref_slice %arg2[%mul3A_256] : memref<33554432xf32, #tpu.memory_space<hbm>> -> memref<16384xf32, #tpu.memory_space<hbm>>
          %dma_start3A_263 = tpu.memref_slice %run_scoped3A_7[%rem3A_254] : memref<2x!tpu.dma_semaphore, #tpu.memory_space<semaphore_mem>> -> memref<1x!tpu.dma_semaphore, #tpu.memory_space<semaphore_mem>>
          %dma_start3A_264 = tpu.memref_squeeze %dma_start3A_263 : memref<1x!tpu.dma_semaphore, #tpu.memory_space<semaphore_mem>> -> memref<!tpu.dma_semaphore, #tpu.memory_space<semaphore_mem>>
          %dma_start3A_265 = tpu.memref_slice %run_scoped3A[%add3A_260] : memref<32768xf32, #tpu.memory_space<vmem>> -> memref<16384xf32, #tpu.memory_space<vmem>>
          %dma_start3A_266 = tpu.memref_slice %arg2[%mul3A_256] : memref<33554432xf32, #tpu.memory_space<hbm>> -> memref<16384xf32, #tpu.memory_space<hbm>>
          tpu.enqueue_dma source(%dma_start3A_266 : memref<16384xf32, #tpu.memory_space<hbm>>) target(%dma_start3A_265 : memref<16384xf32, #tpu.memory_space<vmem>>) target_semaphore(%dma_start3A_264 : memref<!tpu.dma_semaphore, #tpu.memory_space<semaphore_mem>>)
        } else {
        }
        %and3A_155 = arith.constant true
        %and3A_156 = arith.andi %and3A, %and3A_155 : i1
        %add3A_157 = arith.constant 1 : i32
        %add3A_158 = arith.addi %scan3A_114, %add3A_157 : i32
        %select_n3A_159 = arith.select %and3A_156, %add3A_158, %scan3A_114 : i32
        %ne3A_160 = arith.cmpi ne, %add3A_123, %add3A_141 : i32
        %or3A_161 = arith.constant false
        %or3A_162 = arith.ori %or3A_161, %ne3A_160 : i1
        %ge3A_163 = arith.constant 63 : i32
        %ge3A_164 = arith.cmpi sge, %scan3A_113, %ge3A_163 : i32
        %not3A_165 = arith.constant true
        %not3A_166 = arith.xori %ge3A_164, %not3A_165 : i1
        %and3A_167 = arith.andi %or3A_162, %not3A_166 : i1
        %ne3A_168 = arith.cmpi ne, %add3A_123, %add3A_132 : i32
        %or3A_169 = arith.constant false
        %or3A_170 = arith.ori %or3A_169, %ne3A_168 : i1
        %or3A_171 = arith.ori %or3A_170, %eq3A_120 : i1
        %convert_element_type3A_172 = arith.extui %or3A_171 : i1 to i32
        %cond3A_173 = arith.constant 0 : i32
        %cond3A_174 = arith.cmpi ne, %convert_element_type3A_172, %cond3A_173 : i32
        scf.if %cond3A_174 {
          %mul3A_253 = arith.constant 16384 : i32
          %mul3A_254 = arith.muli %mul3A_253, %add3A_123 : i32
          %rem3A_255 = arith.constant 2 : i32
          %rem3A_256 = arith.remui %scan3A_115, %rem3A_255 : i32
          %mul3A_257 = arith.constant 16384 : i32
          %mul3A_258 = arith.muli %rem3A_256, %mul3A_257 : i32
          %add3A_259 = arith.constant 0 : i32
          %add3A_260 = arith.addi %mul3A_258, %add3A_259 : i32
          %dma_wait3A_261 = tpu.memref_slice %run_scoped3A[%add3A_260] : memref<32768xf32, #tpu.memory_space<vmem>> -> memref<16384xf32, #tpu.memory_space<vmem>>
          %dma_wait3A_262 = tpu.memref_slice %arg2[%mul3A_254] : memref<33554432xf32, #tpu.memory_space<hbm>> -> memref<16384xf32, #tpu.memory_space<hbm>>
          %dma_wait3A_263 = tpu.memref_slice %run_scoped3A_7[%rem3A_256] : memref<2x!tpu.dma_semaphore, #tpu.memory_space<semaphore_mem>> -> memref<1x!tpu.dma_semaphore, #tpu.memory_space<semaphore_mem>>
          %dma_wait3A_264 = tpu.memref_squeeze %dma_wait3A_263 : memref<1x!tpu.dma_semaphore, #tpu.memory_space<semaphore_mem>> -> memref<!tpu.dma_semaphore, #tpu.memory_space<semaphore_mem>>
          %dma_wait3A_265 = tpu.memref_slice %run_scoped3A[%add3A_260] : memref<32768xf32, #tpu.memory_space<vmem>> -> memref<16384xf32, #tpu.memory_space<vmem>>
          %dma_wait3A_266 = tpu.memref_slice %arg2[%mul3A_254] : memref<33554432xf32, #tpu.memory_space<hbm>> -> memref<16384xf32, #tpu.memory_space<hbm>>
          tpu.wait_dma2 semaphore(%dma_wait3A_264 : memref<!tpu.dma_semaphore, #tpu.memory_space<semaphore_mem>>) src(%dma_wait3A_266 : memref<16384xf32, #tpu.memory_space<hbm>>) dst(%dma_wait3A_265 : memref<16384xf32, #tpu.memory_space<vmem>>)
        } else {
        }
        %ne3A_175 = arith.cmpi ne, %add3A_123, %add3A_132 : i32
        %or3A_176 = arith.constant false
        %or3A_177 = arith.ori %or3A_176, %ne3A_175 : i1
        %or3A_178 = arith.ori %or3A_177, %eq3A_120 : i1
        %convert_element_type3A_179 = arith.extui %or3A_178 : i1 to i32
        %cond3A_180 = arith.constant 0 : i32
        %cond3A_181 = arith.cmpi ne, %convert_element_type3A_179, %cond3A_180 : i32
        scf.if %cond3A_181 {
        } else {
        }
        %rem3A_182 = arith.constant 2 : i32
        %rem3A_183 = arith.remui %scan3A_115, %rem3A_182 : i32
        %mul3A_184 = arith.constant 16384 : i32
        %mul3A_185 = arith.muli %rem3A_183, %mul3A_184 : i32
        %rem3A_186 = arith.constant 2 : i32
        %rem3A_187 = arith.remui %scan3A_116, %rem3A_186 : i32
        %mul3A_188 = arith.constant 16384 : i32
        %mul3A_189 = arith.muli %rem3A_187, %mul3A_188 : i32
        %parallel_loop3A = arith.constant 0 : i32
        %parallel_loop3A_190 = arith.constant 1024 : i32
        %parallel_loop3A_191 = arith.constant 1 : i32
        scf.for %parallel_loop3A_253 = %parallel_loop3A to %parallel_loop3A_190 step %parallel_loop3A_191  : i32 {
          %parallel_loop3A_254 = arith.constant 16 : i32
          %parallel_loop3A_255 = arith.muli %parallel_loop3A_253, %parallel_loop3A_254 : i32
          %parallel_loop3A_256 = tpu.memref_slice %run_scoped3A[%mul3A_185] : memref<32768xf32, #tpu.memory_space<vmem>> -> memref<16384xf32, #tpu.memory_space<vmem>>
          %parallel_loop3A_257 = arith.index_cast %parallel_loop3A_255 : i32 to index
          %parallel_loop3A_258 = tpu.vector_load %parallel_loop3A_256[%parallel_loop3A_257] {strides = array<i32>} : memref<16384xf32, #tpu.memory_space<vmem>>, vector<16xf32>,
          %parallel_loop3A_259 = arith.constant 1.024000e+02 : f32
          %parallel_loop3A_260 = vector.broadcast %parallel_loop3A_259 : f32 to vector<16xf32>
          %parallel_loop3A_261 = arith.mulf %parallel_loop3A_258, %parallel_loop3A_260 : vector<16xf32>
          %parallel_loop3A_262 = arith.constant 1.025000e+03 : f32
          %parallel_loop3A_263 = vector.broadcast %parallel_loop3A_262 : f32 to vector<16xf32>
          %parallel_loop3A_264 = arith.addf %parallel_loop3A_261, %parallel_loop3A_263 : vector<16xf32>
          %parallel_loop3A_265 = arith.constant 0.000000e+00 : f32
          %parallel_loop3A_266 = vector.broadcast %parallel_loop3A_265 : f32 to vector<16xf32>
          %parallel_loop3A_267 = arith.maximumf %parallel_loop3A_264, %parallel_loop3A_266 : vector<16xf32>
          %parallel_loop3A_268 = arith.constant 2.049000e+03 : f32
          %parallel_loop3A_269 = vector.broadcast %parallel_loop3A_268 : f32 to vector<16xf32>
          %parallel_loop3A_270 = arith.minimumf %parallel_loop3A_267, %parallel_loop3A_269 : vector<16xf32>
          %parallel_loop3A_271 = arith.fptosi %parallel_loop3A_270 : vector<16xf32> to vector<16xi32>
          %parallel_loop3A_272 = tpu.iota {dimensions = array<i32: 0>} : vector<16xi32>
          %parallel_loop3A_273 = arith.constant 4 : i32
          %parallel_loop3A_274 = vector.broadcast %parallel_loop3A_273 : i32 to vector<16xi32>
          %parallel_loop3A_275 = arith.shli %parallel_loop3A_271, %parallel_loop3A_274 : vector<16xi32>
          %parallel_loop3A_276 = arith.addi %parallel_loop3A_275, %parallel_loop3A_272 : vector<16xi32>
          %parallel_loop3A_277 = tpu.vector_load_idx %arg8[%parallel_loop3A_276] : memref<32832xi32, #tpu.memory_space<vmem>>[vector<16xi32>], vector<16xi32>,
          %parallel_loop3A_278 = arith.constant 112 : i32
          %parallel_loop3A_279 = arith.andi %parallel_loop3A_255, %parallel_loop3A_278 : i32
          %parallel_loop3A_280 = vector.broadcast %parallel_loop3A_279 : i32 to vector<16xi32>
          %parallel_loop3A_281 = arith.addi %parallel_loop3A_272, %parallel_loop3A_280 : vector<16xi32>
          %parallel_loop3A_282 = arith.addi %parallel_loop3A_277, %parallel_loop3A_281 : vector<16xi32>
          %parallel_loop3A_283 = tpu.vector_load_idx %arg9[%parallel_loop3A_282] : memref<4352xf32, #tpu.memory_space<vmem>>[vector<16xi32>], vector<16xf32>,
          %parallel_loop3A_284 = tpu.vector_load_idx %arg10[%parallel_loop3A_282] : memref<4352xf32, #tpu.memory_space<vmem>>[vector<16xi32>], vector<16xf32>,
          %parallel_loop3A_285 = tpu.vector_load_idx %arg11[%parallel_loop3A_282] : memref<4352xf32, #tpu.memory_space<vmem>>[vector<16xi32>], vector<16xf32>,
          %parallel_loop3A_286 = arith.mulf %parallel_loop3A_283, %parallel_loop3A_258 : vector<16xf32>
          %parallel_loop3A_287 = arith.addf %parallel_loop3A_286, %parallel_loop3A_284 : vector<16xf32>
          %parallel_loop3A_288 = arith.mulf %parallel_loop3A_287, %parallel_loop3A_258 : vector<16xf32>
          %parallel_loop3A_289 = arith.addf %parallel_loop3A_288, %parallel_loop3A_285 : vector<16xf32>
          %parallel_loop3A_290 = tpu.memref_slice %run_scoped3A_8[%mul3A_189] : memref<32768xf32, #tpu.memory_space<vmem>> -> memref<16384xf32, #tpu.memory_space<vmem>>
          %parallel_loop3A_291 = arith.index_cast %parallel_loop3A_255 : i32 to index
          %parallel_loop3A_292 = tpu.vector_load %parallel_loop3A_290[%parallel_loop3A_291] {strides = array<i32>} : memref<16384xf32, #tpu.memory_space<vmem>>, vector<16xf32>,
          tpu.vector_store %parallel_loop3A_290[%parallel_loop3A_291], %parallel_loop3A_289 {strides = array<i32>} : memref<16384xf32, #tpu.memory_space<vmem>>, vector<16xf32>,
        } {sc.loop_unroll_factor = 8 : i64, sc.parallel_access}
        %ne3A_192 = arith.cmpi ne, %add3A_123, %add3A_141 : i32
        %or3A_193 = arith.constant false
        %or3A_194 = arith.ori %or3A_193, %ne3A_192 : i1
        %or3A_195 = arith.ori %or3A_194, %eq3A_122 : i1
        %convert_element_type3A_196 = arith.extui %or3A_195 : i1 to i32
        %cond3A_197 = arith.constant 0 : i32
        %cond3A_198 = arith.cmpi ne, %convert_element_type3A_196, %cond3A_197 : i32
        scf.if %cond3A_198 {
        } else {
        }
        %and3A_199 = arith.constant false
        %and3A_200 = arith.andi %or3A_195, %and3A_199 : i1
        %ne3A_201 = arith.cmpi ne, %add3A_123, %add3A_141 : i32
        %or3A_202 = arith.constant false
        %or3A_203 = arith.ori %or3A_202, %ne3A_201 : i1
        %or3A_204 = arith.ori %or3A_203, %eq3A_122 : i1
        %convert_element_type3A_205 = arith.extui %or3A_204 : i1 to i32
        %cond3A_206 = arith.constant 0 : i32
        %cond3A_207 = arith.cmpi ne, %convert_element_type3A_205, %cond3A_206 : i32
        scf.if %cond3A_207 {
          %rem3A_253 = arith.constant 2 : i32
          %rem3A_254 = arith.remui %scan3A_116, %rem3A_253 : i32
          %mul3A_255 = arith.constant 16384 : i32
          %mul3A_256 = arith.muli %mul3A_255, %add3A_123 : i32
          %mul3A_257 = arith.constant 16384 : i32
          %mul3A_258 = arith.muli %rem3A_254, %mul3A_257 : i32
          %add3A_259 = arith.constant 0 : i32
          %add3A_260 = arith.addi %mul3A_258, %add3A_259 : i32
          %dma_start3A_261 = tpu.memref_slice %run_scoped3A_8[%add3A_260] : memref<32768xf32, #tpu.memory_space<vmem>> -> memref<16384xf32, #tpu.memory_space<vmem>>
          %dma_start3A_262 = tpu.memref_slice %arg7[%mul3A_256] : memref<33554432xf32, #tpu.memory_space<hbm>> -> memref<16384xf32, #tpu.memory_space<hbm>>
          %dma_start3A_263 = tpu.memref_slice %run_scoped3A_9[%rem3A_254] : memref<2x!tpu.dma_semaphore, #tpu.memory_space<semaphore_mem>> -> memref<1x!tpu.dma_semaphore, #tpu.memory_space<semaphore_mem>>
          %dma_start3A_264 = tpu.memref_squeeze %dma_start3A_263 : memref<1x!tpu.dma_semaphore, #tpu.memory_space<semaphore_mem>> -> memref<!tpu.dma_semaphore, #tpu.memory_space<semaphore_mem>>
          %dma_start3A_265 = tpu.memref_slice %arg7[%mul3A_256] : memref<33554432xf32, #tpu.memory_space<hbm>> -> memref<16384xf32, #tpu.memory_space<hbm>>
          %dma_start3A_266 = tpu.memref_slice %run_scoped3A_8[%add3A_260] : memref<32768xf32, #tpu.memory_space<vmem>> -> memref<16384xf32, #tpu.memory_space<vmem>>
          tpu.enqueue_dma source(%dma_start3A_266 : memref<16384xf32, #tpu.memory_space<vmem>>) target(%dma_start3A_265 : memref<16384xf32, #tpu.memory_space<hbm>>) target_semaphore(%dma_start3A_264 : memref<!tpu.dma_semaphore, #tpu.memory_space<semaphore_mem>>)
        } else {
        }
        %and3A_208 = arith.constant true
        %and3A_209 = arith.andi %or3A_204, %and3A_208 : i1
        %add3A_210 = arith.constant 1 : i32
        %add3A_211 = arith.addi %scan3A_116, %add3A_210 : i32
        %select_n3A_212 = arith.select %and3A_209, %add3A_211, %scan3A_116 : i32
        %ne3A_213 = arith.cmpi ne, %add3A_123, %add3A_132 : i32
        %or3A_214 = arith.constant false
        %or3A_215 = arith.ori %or3A_214, %ne3A_213 : i1
        %not3A_216 = arith.constant true
        %not3A_217 = arith.xori %eq3A_120, %not3A_216 : i1
        %and3A_218 = arith.andi %or3A_215, %not3A_217 : i1
        %convert_element_type3A_219 = arith.extui %and3A_218 : i1 to i32
        %cond3A_220 = arith.constant 0 : i32
        %cond3A_221 = arith.cmpi ne, %convert_element_type3A_219, %cond3A_220 : i32
        scf.if %cond3A_221 {
        } else {
        }
        %and3A_222 = arith.constant false
        %and3A_223 = arith.andi %and3A_218, %and3A_222 : i1
        %ne3A_224 = arith.cmpi ne, %add3A_123, %add3A_132 : i32
        %or3A_225 = arith.constant false
        %or3A_226 = arith.ori %or3A_225, %ne3A_224 : i1
        %not3A_227 = arith.constant true
        %not3A_228 = arith.xori %eq3A_120, %not3A_227 : i1
        %and3A_229 = arith.andi %or3A_226, %not3A_228 : i1
        %convert_element_type3A_230 = arith.extui %and3A_229 : i1 to i32
        %cond3A_231 = arith.constant 0 : i32
        %cond3A_232 = arith.cmpi ne, %convert_element_type3A_230, %cond3A_231 : i32
        scf.if %cond3A_232 {
          %rem3A_253 = arith.constant 2 : i32
          %rem3A_254 = arith.remui %scan3A_117, %rem3A_253 : i32
          %mul3A_255 = arith.constant 16384 : i32
          %mul3A_256 = arith.muli %mul3A_255, %add3A_132 : i32
          %mul3A_257 = arith.constant 16384 : i32
          %mul3A_258 = arith.muli %rem3A_254, %mul3A_257 : i32
          %add3A_259 = arith.constant 0 : i32
          %add3A_260 = arith.addi %mul3A_258, %add3A_259 : i32
          %dma_wait3A_261 = tpu.memref_slice %run_scoped3A_8[%add3A_260] : memref<32768xf32, #tpu.memory_space<vmem>> -> memref<16384xf32, #tpu.memory_space<vmem>>
          %dma_wait3A_262 = tpu.memref_slice %arg7[%mul3A_256] : memref<33554432xf32, #tpu.memory_space<hbm>> -> memref<16384xf32, #tpu.memory_space<hbm>>
          %dma_wait3A_263 = tpu.memref_slice %run_scoped3A_9[%rem3A_254] : memref<2x!tpu.dma_semaphore, #tpu.memory_space<semaphore_mem>> -> memref<1x!tpu.dma_semaphore, #tpu.memory_space<semaphore_mem>>
          %dma_wait3A_264 = tpu.memref_squeeze %dma_wait3A_263 : memref<1x!tpu.dma_semaphore, #tpu.memory_space<semaphore_mem>> -> memref<!tpu.dma_semaphore, #tpu.memory_space<semaphore_mem>>
          %dma_wait3A_265 = tpu.memref_slice %arg7[%mul3A_256] : memref<33554432xf32, #tpu.memory_space<hbm>> -> memref<16384xf32, #tpu.memory_space<hbm>>
          %dma_wait3A_266 = tpu.memref_slice %run_scoped3A_8[%add3A_260] : memref<32768xf32, #tpu.memory_space<vmem>> -> memref<16384xf32, #tpu.memory_space<vmem>>
          tpu.wait_dma2 semaphore(%dma_wait3A_264 : memref<!tpu.dma_semaphore, #tpu.memory_space<semaphore_mem>>) src(%dma_wait3A_266 : memref<16384xf32, #tpu.memory_space<vmem>>) dst(%dma_wait3A_265 : memref<16384xf32, #tpu.memory_space<hbm>>)
        } else {
        }
        %and3A_233 = arith.constant true
        %and3A_234 = arith.andi %and3A_229, %and3A_233 : i1
        %add3A_235 = arith.constant 1 : i32
        %add3A_236 = arith.addi %scan3A_117, %add3A_235 : i32
        %select_n3A_237 = arith.select %and3A_234, %add3A_236, %scan3A_117 : i32
        %ne3A_238 = arith.cmpi ne, %add3A_123, %add3A_141 : i32
        %or3A_239 = arith.constant false
        %or3A_240 = arith.ori %or3A_239, %ne3A_238 : i1
        %or3A_241 = arith.ori %or3A_240, %eq3A_122 : i1
        %add3A_242 = arith.constant 1 : i32
        %add3A_243 = arith.addi %scan3A_115, %add3A_242 : i32
        %select_n3A_244 = arith.select %or3A_241, %add3A_243, %scan3A_115 : i32
        %add3A_245 = arith.constant 1 : i32
        %add3A_246 = arith.addi %scan3A_118, %add3A_245 : i32
        %select_n3A_247 = arith.constant true
        %select_n3A_248 = arith.select %select_n3A_247, %add3A_246, %scan3A_118 : i32
        %eq3A_249 = arith.constant 64 : i32
        %eq3A_250 = arith.cmpi eq, %select_n3A_248, %eq3A_249 : i32
        %select_n3A_251 = arith.constant 0 : i32
        %select_n3A_252 = arith.select %eq3A_250, %select_n3A_251, %select_n3A_248 : i32
        scf.yield %select_n3A_159, %select_n3A_244, %select_n3A_212, %select_n3A_237, %select_n3A_252 : i32, i32, i32, i32, i32
      }
      %scan3A_64 = arith.constant 64 : i32
      %sub3A = arith.constant 1 : i32
      %sub3A_65 = arith.subi %scan3A_63#4, %sub3A : i32
      %select_n3A_66 = arith.constant true
      %select_n3A_67 = arith.select %select_n3A_66, %sub3A_65, %scan3A_63#4 : i32
      %eq3A_68 = arith.constant -1 : i32
      %eq3A_69 = arith.cmpi eq, %select_n3A_67, %eq3A_68 : i32
      %select_n3A_70 = arith.constant 63 : i32
      %select_n3A_71 = arith.select %eq3A_69, %select_n3A_70, %select_n3A_67 : i32
      %add3A_72 = arith.addi %select_n3A_71, %mul3A_6 : i32
      %sub3A_73 = arith.constant 1 : i32
      %sub3A_74 = arith.subi %select_n3A_71, %sub3A_73 : i32
      %select_n3A_75 = arith.constant true
      %select_n3A_76 = arith.select %select_n3A_75, %sub3A_74, %select_n3A_71 : i32
      %eq3A_77 = arith.constant -1 : i32
      %eq3A_78 = arith.cmpi eq, %select_n3A_76, %eq3A_77 : i32
      %select_n3A_79 = arith.constant 63 : i32
      %select_n3A_80 = arith.select %eq3A_78, %select_n3A_79, %select_n3A_76 : i32
      %add3A_81 = arith.addi %select_n3A_80, %mul3A_6 : i32
      %add3A_82 = arith.constant 1 : i32
      %add3A_83 = arith.addi %select_n3A_71, %add3A_82 : i32
      %select_n3A_84 = arith.constant true
      %select_n3A_85 = arith.select %select_n3A_84, %add3A_83, %select_n3A_71 : i32
      %eq3A_86 = arith.constant 64 : i32
      %eq3A_87 = arith.cmpi eq, %select_n3A_85, %eq3A_86 : i32
      %select_n3A_88 = arith.constant 0 : i32
      %select_n3A_89 = arith.select %eq3A_87, %select_n3A_88, %select_n3A_85 : i32
      %add3A_90 = arith.addi %select_n3A_89, %mul3A_6 : i32
      %add3A_91 = arith.constant 1 : i32
      %add3A_92 = arith.addi %select_n3A_89, %add3A_91 : i32
      %select_n3A_93 = arith.constant true
      %select_n3A_94 = arith.select %select_n3A_93, %add3A_92, %select_n3A_89 : i32
      %eq3A_95 = arith.constant 64 : i32
      %eq3A_96 = arith.cmpi eq, %select_n3A_94, %eq3A_95 : i32
      %select_n3A_97 = arith.constant 0 : i32
      %select_n3A_98 = arith.select %eq3A_96, %select_n3A_97, %select_n3A_94 : i32
      %add3A_99 = arith.addi %select_n3A_98, %mul3A_6 : i32
      %rem3A_100 = arith.constant 2 : i32
      %rem3A_101 = arith.remui %scan3A_63#3, %rem3A_100 : i32
      %mul3A_102 = arith.constant 16384 : i32
      %mul3A_103 = arith.muli %mul3A_102, %add3A_72 : i32
      %mul3A_104 = arith.constant 16384 : i32
      %mul3A_105 = arith.muli %rem3A_101, %mul3A_104 : i32
      %add3A_106 = arith.constant 0 : i32
      %add3A_107 = arith.addi %mul3A_105, %add3A_106 : i32
      %dma_wait3A = tpu.memref_slice %run_scoped3A_8[%add3A_107] : memref<32768xf32, #tpu.memory_space<vmem>> -> memref<16384xf32, #tpu.memory_space<vmem>>
      %dma_wait3A_108 = tpu.memref_slice %arg7[%mul3A_103] : memref<33554432xf32, #tpu.memory_space<hbm>> -> memref<16384xf32, #tpu.memory_space<hbm>>
      %dma_wait3A_109 = tpu.memref_slice %run_scoped3A_9[%rem3A_101] : memref<2x!tpu.dma_semaphore, #tpu.memory_space<semaphore_mem>> -> memref<1x!tpu.dma_semaphore, #tpu.memory_space<semaphore_mem>>
      %dma_wait3A_110 = tpu.memref_squeeze %dma_wait3A_109 : memref<1x!tpu.dma_semaphore, #tpu.memory_space<semaphore_mem>> -> memref<!tpu.dma_semaphore, #tpu.memory_space<semaphore_mem>>
      %dma_wait3A_111 = tpu.memref_slice %arg7[%mul3A_103] : memref<33554432xf32, #tpu.memory_space<hbm>> -> memref<16384xf32, #tpu.memory_space<hbm>>
      %dma_wait3A_112 = tpu.memref_slice %run_scoped3A_8[%add3A_107] : memref<32768xf32, #tpu.memory_space<vmem>> -> memref<16384xf32, #tpu.memory_space<vmem>>
      tpu.wait_dma2 semaphore(%dma_wait3A_110 : memref<!tpu.dma_semaphore, #tpu.memory_space<semaphore_mem>>) src(%dma_wait3A_112 : memref<16384xf32, #tpu.memory_space<vmem>>) dst(%dma_wait3A_111 : memref<16384xf32, #tpu.memory_space<hbm>>)
      tpu.yield
    }) : () -> ()
    return
  }
}

module attributes {stable_mosaic.version = 14 : i64} {
  func.func @_prep_body(%arg0: memref<31x128xf32, #tpu.memory_space<vmem>>, %arg1: memref<31x1xf32, #tpu.memory_space<vmem>>, %arg2: memref<32x1xf32, #tpu.memory_space<vmem>>, %arg3: memref<32x1xf32, #tpu.memory_space<vmem>>, %arg4: memref<32x32xf32, #tpu.memory_space<vmem>>, %arg5: memref<3x34x128xf32, #tpu.memory_space<vmem>>) attributes {dimension_semantics = [], scalar_prefetch = 0 : i64, scratch_operands = 0 : i64, tpu.core_type = #tpu.core_type<tc>} {
    %get3A = arith.constant 0 : index
    %get3A_0 = arith.constant 0 : index
    %get3A_1 = vector.load %arg0[%get3A, %get3A_0] : memref<31x128xf32, #tpu.memory_space<vmem>>, vector<31x128xf32>
    %get3A_2 = arith.constant 0 : index
    %get3A_3 = arith.constant 0 : index
    %get3A_4 = vector.load %arg1[%get3A_2, %get3A_3] : memref<31x1xf32, #tpu.memory_space<vmem>>, vector<31x1xf32>
    %get3A_5 = arith.constant 0 : index
    %get3A_6 = arith.constant 0 : index
    %get3A_7 = vector.load %arg2[%get3A_5, %get3A_6] : memref<32x1xf32, #tpu.memory_space<vmem>>, vector<32x1xf32>
    %get3A_8 = arith.constant 0 : index
    %get3A_9 = arith.constant 0 : index
    %get3A_10 = vector.load %arg3[%get3A_8, %get3A_9] : memref<32x1xf32, #tpu.memory_space<vmem>>, vector<32x1xf32>
    %get3A_11 = arith.constant 0 : index
    %get3A_12 = arith.constant 0 : index
    %get3A_13 = vector.load %arg4[%get3A_11, %get3A_12] : memref<32x32xf32, #tpu.memory_space<vmem>>, vector<32x32xf32>
    %exp3A = math.exp %get3A_1 : vector<31x128xf32>
    %mul3A = vector.broadcast %get3A_4 : vector<31x1xf32> to vector<31x128xf32>
    %mul3A_14 = arith.mulf %exp3A, %mul3A : vector<31x128xf32>
    %reduce_sum3A = arith.constant dense<0.000000e+00> : vector<128xf32>
    %reduce_sum3A_15 = vector.multi_reduction <add>, %mul3A_14, %reduce_sum3A [0] : vector<31x128xf32> to vector<128xf32>
    %broadcast_in_dim3A = vector.shape_cast %reduce_sum3A_15 : vector<128xf32> to vector<1x128xf32>
    %div3A = arith.constant 0.99999994 : f32
    %div3A_16 = vector.broadcast %div3A : f32 to vector<1x128xf32>
    %div3A_17 = arith.divf %div3A_16, %broadcast_in_dim3A : vector<1x128xf32>
    %mul3A_18 = vector.broadcast %div3A_17 : vector<1x128xf32> to vector<31x128xf32>
    %mul3A_19 = arith.mulf %mul3A_18, %exp3A : vector<31x128xf32>
    %broadcast_in_dim3A_20 = arith.constant 9.99999997E-7 : f32
    %broadcast_in_dim3A_21 = vector.broadcast %broadcast_in_dim3A_20 : f32 to vector<1x128xf32>
    %concatenate3A = tpu.concatenate %broadcast_in_dim3A_21, %mul3A_19, %broadcast_in_dim3A_21 in 0 : vector<1x128xf32>, vector<31x128xf32>, vector<1x128xf32> -> vector<33x128xf32>
    %slice3A = vector.extract_strided_slice %concatenate3A {offsets = [0, 0], sizes = [32, 128], strides = [1, 1]} : vector<33x128xf32> to vector<32x128xf32>
    %slice3A_22 = vector.extract_strided_slice %concatenate3A {offsets = [1, 0], sizes = [32, 128], strides = [1, 1]} : vector<33x128xf32> to vector<32x128xf32>
    %add3A = arith.addf %slice3A, %slice3A_22 : vector<32x128xf32>
    %mul3A_23 = arith.constant 5.000000e-01 : f32
    %mul3A_24 = vector.broadcast %mul3A_23 : f32 to vector<32x128xf32>
    %mul3A_25 = arith.mulf %add3A, %mul3A_24 : vector<32x128xf32>
    %mul3A_26 = vector.broadcast %get3A_7 : vector<32x1xf32> to vector<32x128xf32>
    %mul3A_27 = arith.mulf %mul3A_25, %mul3A_26 : vector<32x128xf32>
    %dot_general3A = arith.constant dense<0.000000e+00> : vector<32x128xf32>
    %dot_general3A_28 = tpu.matmul %get3A_13, %mul3A_27, %dot_general3A {dimension_numbers = #tpu.dot_dimension_numbers<[1], [0], [0], [1], [0, 0, 1, 1], [], []>, precision = #tpu.contract_precision<fp32>, transpose_lhs_hint = false} : vector<32x32xf32>, vector<32x128xf32>, vector<32x128xf32> -> vector<32x128xf32>
    %slice3A_29 = vector.extract_strided_slice %concatenate3A {offsets = [1, 0], sizes = [32, 128], strides = [1, 1]} : vector<33x128xf32> to vector<32x128xf32>
    %slice3A_30 = vector.extract_strided_slice %concatenate3A {offsets = [0, 0], sizes = [32, 128], strides = [1, 1]} : vector<33x128xf32> to vector<32x128xf32>
    %sub3A = arith.subf %slice3A_29, %slice3A_30 : vector<32x128xf32>
    %div3A_31 = vector.broadcast %get3A_7 : vector<32x1xf32> to vector<32x128xf32>
    %div3A_32 = arith.divf %sub3A, %div3A_31 : vector<32x128xf32>
    %slice3A_33 = vector.extract_strided_slice %concatenate3A {offsets = [0, 0], sizes = [32, 128], strides = [1, 1]} : vector<33x128xf32> to vector<32x128xf32>
    %mul3A_34 = arith.constant 2.500000e-02 : f32
    %mul3A_35 = vector.broadcast %mul3A_34 : f32 to vector<32x128xf32>
    %mul3A_36 = arith.mulf %div3A_32, %mul3A_35 : vector<32x128xf32>
    %mul3A_37 = arith.constant 2.000000e+00 : f32
    %mul3A_38 = vector.broadcast %mul3A_37 : f32 to vector<32x128xf32>
    %mul3A_39 = arith.mulf %mul3A_38, %mul3A_36 : vector<32x128xf32>
    %mul3A_40 = vector.broadcast %get3A_10 : vector<32x1xf32> to vector<32x128xf32>
    %mul3A_41 = arith.mulf %mul3A_39, %mul3A_40 : vector<32x128xf32>
    %sub3A_42 = arith.subf %slice3A_33, %mul3A_41 : vector<32x128xf32>
    %mul3A_43 = arith.constant 2.000000e+01 : f32
    %mul3A_44 = vector.broadcast %mul3A_43 : f32 to vector<32x128xf32>
    %mul3A_45 = arith.mulf %mul3A_44, %dot_general3A_28 : vector<32x128xf32>
    %sub3A_46 = arith.constant 1.000000e+01 : f32
    %sub3A_47 = vector.broadcast %sub3A_46 : f32 to vector<32x128xf32>
    %sub3A_48 = arith.subf %mul3A_45, %sub3A_47 : vector<32x128xf32>
    %mul3A_49 = vector.broadcast %get3A_10 : vector<32x1xf32> to vector<32x128xf32>
    %mul3A_50 = arith.mulf %mul3A_36, %mul3A_49 : vector<32x128xf32>
    %sub3A_51 = arith.subf %mul3A_50, %slice3A_33 : vector<32x128xf32>
    %mul3A_52 = vector.broadcast %get3A_10 : vector<32x1xf32> to vector<32x128xf32>
    %mul3A_53 = arith.mulf %sub3A_51, %mul3A_52 : vector<32x128xf32>
    %add3A_54 = arith.addf %sub3A_48, %mul3A_53 : vector<32x128xf32>
    %broadcast_in_dim3A_55 = arith.constant 0.000000e+00 : f32
    %broadcast_in_dim3A_56 = vector.broadcast %broadcast_in_dim3A_55 : f32 to vector<2x128xf32>
    %concatenate3A_57 = tpu.concatenate %mul3A_36, %broadcast_in_dim3A_56 in 0 : vector<32x128xf32>, vector<2x128xf32> -> vector<34x128xf32>
    %broadcast_in_dim3A_58 = arith.constant 9.99999997E-7 : f32
    %broadcast_in_dim3A_59 = vector.broadcast %broadcast_in_dim3A_58 : f32 to vector<2x128xf32>
    %concatenate3A_60 = tpu.concatenate %sub3A_42, %broadcast_in_dim3A_59 in 0 : vector<32x128xf32>, vector<2x128xf32> -> vector<34x128xf32>
    %broadcast_in_dim3A_61 = arith.constant -9.999990e+00 : f32
    %broadcast_in_dim3A_62 = vector.broadcast %broadcast_in_dim3A_61 : f32 to vector<1x128xf32>
    %broadcast_in_dim3A_63 = arith.constant 9.999990e+00 : f32
    %broadcast_in_dim3A_64 = vector.broadcast %broadcast_in_dim3A_63 : f32 to vector<1x128xf32>
    %concatenate3A_65 = tpu.concatenate %add3A_54, %broadcast_in_dim3A_62, %broadcast_in_dim3A_64 in 0 : vector<32x128xf32>, vector<1x128xf32>, vector<1x128xf32> -> vector<34x128xf32>
    %stack3A = vector.shape_cast %concatenate3A_57 : vector<34x128xf32> to vector<1x34x128xf32>
    %stack3A_66 = vector.shape_cast %concatenate3A_60 : vector<34x128xf32> to vector<1x34x128xf32>
    %stack3A_67 = vector.shape_cast %concatenate3A_65 : vector<34x128xf32> to vector<1x34x128xf32>
    %stack3A_68 = tpu.concatenate %stack3A, %stack3A_66, %stack3A_67 in 0 : vector<1x34x128xf32>, vector<1x34x128xf32>, vector<1x34x128xf32> -> vector<3x34x128xf32>
    %swap3A = arith.constant 0 : index
    %swap3A_69 = arith.constant 0 : index
    %swap3A_70 = arith.constant 0 : index
    %swap3A_71 = vector.load %arg5[%swap3A, %swap3A_69, %swap3A_70] : memref<3x34x128xf32, #tpu.memory_space<vmem>>, vector<3x34x128xf32>
    tpu.vector_store %arg5[%swap3A, %swap3A_69, %swap3A_70], %stack3A_68 {strides = array<i32>} : memref<3x34x128xf32, #tpu.memory_space<vmem>>, vector<3x34x128xf32>,
    return
  }
}

</mosaic_0001>

<sc_bundles>
// kernel: kernel.4.cloned.1.call-start
scs
__scs_entry_jumppad:
0x0: {  	(pc) =	sbr.rel $0x88, $3  }
0x1: {  	(tag) =	ssettag $0x0;
	lr =	simm.s32 $0x1  }
0x2: {  	[smem:$0x3F9F] =	sst lr;
	_ =	strace $0xD0000000  }
0x3: {  	_ = 	snop  }
0x4: {  	_ = 	snop  }
0x5: {  	_ = 	snop  }
0x6: {  	_ = 	snop  }
0x7: {  	_ = 	snop  }
__scs_overlays_trampoline_lowered:
0x8: {  	[smem:$0x3FAE] =	sst s0  }
0x9: {  	[smem:$0x3FAF] =	sst s1  }
0xa: {  	[smem:$0x3FB0] =	sst s2  }
0xb: {  	[smem:$0x3FB1] =	sst s3  }
0xc: {  	[smem:$0x3FB2] =	sst s4  }
0xd: {  	[smem:$0x3FB3] =	sst s5  }
0xe: {  	[smem:$0x3FB4] =	sst s6  }
0xf: {  	[smem:$0x3FB5] =	sst s7  }
0x10: {  	[smem:$0x3FB6] =	sst s8  }
0x11: {  	[smem:$0x3FB7] =	sst s9;
	s0 =	simm.s32 @!p0 $0x0  }
0x12: {  	s1 =	sld [smem:$0x3F9D];
	s0 =	simm.s32 @p0 $0x1  }
0x13: {  	[smem:$0x3FB8] =	sst s0;
	s0 =	simm.s32 @!p1 $0x0  }
0x14: {  	s2 =	sld [smem:$0x3F9C];
	s0 =	simm.s32 @p1 $0x1  }
0x15: {  	[smem:$0x3FB9] =	sst s0;
	s0 =	simm.s32 @!p2 $0x0  }
0x16: {  	s3 =	sld [smem:$0x3FDB];
	s0 =	simm.s32 @p2 $0x1  }
0x17: {  	s4 =	simm.s32 $0x1BF5;
	[smem:$0x3FBB] =	sst s0  }
0x18: {  	s0 =	sld [smem:$0x3F9E];
	_ =	swait.ge [sflag:s4], $0x0  }
0x19: {  	s7 =	sld [smem:$0x3F9F]  }
0x1a: {  	s8 =	sadd.s32 $0xFFFFE003, lr  }
0x1b: {  	s9 =	sadd.s32 $0xFFFFFEF7, lr;
	s5 =	simm.s32 $0xFFFFFFFF;
	p2 =	slt.u32 s8, $0xFFFFF086  }
0x1c: {  	p1 =	slt.u32 s9, $0xF7A;
	s5 =	simm.s32 @!p2 $0x0  }
0x1d: {  	s5 =	simm.s32 @p1 $0x1;
	p0 =	seq.s32 s7, s2  }
0x1e: {  	s7 =	smul.u32 @!p0 $0xF7A, s2;
	p2 =	seq.s32 @!p0 s5, $0x0  }
0x1f: {  	s9 =	smul.u32 $0xF7A, s1;
	s8 =	simm.s32 @!p0 $0x1BF5;
	p2 =	por !p2, p0  }
0x20: {  	[sflag:s8] =	ssyncset.s32 @!p0 $0xFFFFF086;
	s6 =	sadd.s32 @!p0 s3, s7;
	s7 =	simm.s32 @!p0 $0x108  }
0x21: {  	s3 =	sadd.s32 s3, s9;
	s6 =	sadd.s32 @!p0 $0x88, s6;
	s7 =	simm.s32 @p2 $0x1082  }
0x22: {  	[simem:s7], [sflag:s8] =	dma.local @!p0 [hbm:s6], $0xF7A  }
0x23: {  	s9 =	sor.u32 $0xD0000000, s2;
	s6 =	simm.s32 $0x108;
	_ =	swait.ge @!p0 [sflag:s8], $0x0  }
0x24: {  	s3 =	sadd.s32 $0x88, s3;
	s6 =	simm.s32 @!p1 $0x1082;
	[sflag:s4] =	ssyncset.s32 $0xFFFFF086  }
0x25: {  	[simem:s6], [sflag:s4] =	dma.local [hbm:s3], $0xF7A  }
0x26: {  	[smem:$0x3F9F] =	sst s1;
	(tag) =	ssettag s2;
	_ =	strace s9  }
0x27: {  	s1 =	sld [smem:$0x3FAF]  }
0x28: {  	s2 =	sld [smem:$0x3FB0]  }
0x29: {  	s4 =	sld [smem:$0x3FB2]  }
0x2a: {  	p0 =	seq.s32 s5, $0x0;
	s5 =	sld [smem:$0x3FB3]  }
0x2b: {  	s6 =	sld [smem:$0x3FB4]  }
0x2c: {  	s7 =	sld [smem:$0x3FB5]  }
0x2d: {  	s3 =	simm.s32 $0x108;
	s8 =	sld [smem:$0x3FB6]  }
0x2e: {  	s3 =	simm.s32 @!p0 $0x1082;
	s9 =	sld [smem:$0x3FB7]  }
0x2f: {  	lr =	sadd.s32 s0, s3;
	s0 =	sld [smem:$0x3FAE]  }
0x30: {  	s3 =	sld [smem:$0x3FB1]  }
0x31: {  	[smem:$0x3FBA] =	sst s10  }
0x32: {  	s10 =	sld [smem:$0x3FB8];
	_ =	sdelay $0x3  }
0x33: {  	p0 =	seq.s32 s10, $0x1;
	s10 =	sld [smem:$0x3FBA];
	_ =	sdelay $0x3  }
0x34: {  	[smem:$0x3FBA] =	sst s10  }
0x35: {  	s10 =	sld [smem:$0x3FB9];
	_ =	sdelay $0x3  }
0x36: {  	p1 =	seq.s32 s10, $0x1;
	s10 =	sld [smem:$0x3FBA];
	_ =	sdelay $0x3  }
0x37: {  	[smem:$0x3FBA] =	sst s10  }
0x38: {  	s10 =	sld [smem:$0x3FBB]  }
0x39: {  	_ = 	snop;
	(pc) =	sbr.ind lr, $3  }
0x3a: {  	_ = 	snop  }
0x3b: {  	_ = 	snop  }
0x3c: {  	p2 =	seq.s32 s10, $0x1;
	s10 =	sld [smem:$0x3FBA]  }
0x3d: {  	_ =	shalt  }
0x3e: {  	_ =	shalt  }
0x3f: {  	_ =	shalt  }
0x40: {  	_ =	shalt  }
0x41: {  	_ =	shalt  }
0x42: {  	_ =	shalt  }
0x43: {  	_ =	shalt  }
0x44: {  	_ =	shalt  }
0x45: {  	_ =	shalt  }
0x46: {  	_ =	shalt  }
0x47: {  	_ =	shalt  }
0x48: {  	_ =	shalt  }
0x49: {  	_ =	shalt  }
0x4a: {  	_ =	shalt  }
0x4b: {  	_ =	shalt  }
0x4c: {  	_ =	shalt  }
0x4d: {  	_ =	shalt  }
0x4e: {  	_ =	shalt  }
0x4f: {  	_ =	shalt  }
0x50: {  	_ =	shalt  }
0x51: {  	_ =	shalt  }
0x52: {  	_ =	shalt  }
0x53: {  	_ =	shalt  }
0x54: {  	_ =	shalt  }
0x55: {  	_ =	shalt  }
0x56: {  	_ =	shalt  }
0x57: {  	_ =	shalt  }
0x58: {  	_ =	shalt  }
0x59: {  	_ =	shalt  }
0x5a: {  	_ =	shalt  }
0x5b: {  	_ =	shalt  }
0x5c: {  	_ =	shalt  }
0x5d: {  	_ =	shalt  }
0x5e: {  	_ =	shalt  }
0x5f: {  	_ =	shalt  }
0x60: {  	_ =	shalt  }
0x61: {  	_ =	shalt  }
0x62: {  	_ =	shalt  }
0x63: {  	_ =	shalt  }
0x64: {  	_ =	shalt  }
0x65: {  	_ =	shalt  }
0x66: {  	_ =	shalt  }
0x67: {  	_ =	shalt  }
0x68: {  	_ =	shalt  }
0x69: {  	_ =	shalt  }
0x6a: {  	_ =	shalt  }
0x6b: {  	_ =	shalt  }
0x6c: {  	_ =	shalt  }
0x6d: {  	_ =	shalt  }
0x6e: {  	_ =	shalt  }
0x6f: {  	_ =	shalt  }
0x70: {  	_ =	shalt  }
0x71: {  	_ =	shalt  }
0x72: {  	_ =	shalt  }
0x73: {  	_ =	shalt  }
0x74: {  	_ =	shalt  }
0x75: {  	_ =	shalt  }
0x76: {  	_ =	shalt  }
0x77: {  	_ =	shalt  }
0x78: {  	_ =	shalt  }
0x79: {  	_ =	shalt  }
0x7a: {  	_ =	shalt  }
0x7b: {  	_ =	shalt  }
0x7c: {  	_ =	shalt  }
0x7d: {  	_ =	shalt  }
0x7e: {  	_ =	shalt  }
0x7f: {  	_ =	shalt  }
0x80: {  	_ =	shalt  }
0x81: {  	_ =	shalt  }
0x82: {  	_ =	shalt  }
0x83: {  	_ =	shalt  }
0x84: {  	_ =	shalt  }
0x85: {  	_ =	shalt  }
0x86: {  	_ =	shalt  }
0x87: {  	_ =	shalt  }
.Lfunc_end0:
.L_simem_size_0:
called_computation_lowered:
.L_overlay_start_0:
0x88: {  	s2 =	sld [smem:$0x3FD9]  }
0x89: {  	s3 =	sld [smem:$0x3FFE];
	_ =	sdelay $0x1  }
0x8a: {  	s1 =	srdreg.scid  }
0x8b: {  	s0 =	sand.u32 $0x1, s1  }
0x8c: {  	s17 =	sshll.u32 s0, $0xA;
	s2 =	sadd.s32 s3, s2  }
0x8d: {  	s2 =	sadd.s32 s2, s17  }
0x8e: {  	[smem:$0x3FC6] =	sst s2  }
0x8f: {  	_ = 	snop  }
0x90: {  	s2 =	sld [smem:$0x3FC9]  }
0x91: {  	s18 =	sld [smem:$0x3FD0];
	(tm) =	ssettm $0x1  }
0x92: {  	s4 =	sld [smem:$0x3FFB];
	_ =	sdelay $0x3  }
0x93: {  	_ =	strace s4  }
0x94: {  	s4 =	sld [smem:$0x3FFC];
	_ =	sdelay $0x3  }
0x95: {  	_ =	strace s4  }
0x96: {  	s4 =	sld [smem:$0x3FFD];
	_ =	sdelay $0x3  }
0x97: {  	_ =	strace s4  }
0x98: {  	_ =	strace $0x8FFFFFFF  }
0x99: {  	s19 =	sld [smem:$0x3FDB];
	_ =	sdelay $0x1  }
0x9a: {  	s5 =	simm.s32 $_scs_section_size  }
0x9b: {  	s6 =	simm.s32 $_size__tile_overlayer_lowered;
	s7 =	simm.s32 $_tile_overlayer_lowered  }
0x9c: {  	s22 =	simm.s32 $0x1BFF;
	s21 =	sshll.u32 s7, $0x1;
	s4 =	sadd.s32 s5, s19  }
0x9d: {  	s8 =	simm.s32 $0x0;
	s20 =	sshll.u32 s6, $0x1;
	s6 =	sadd.s32 s21, s4  }
0x9e: {  	[timem:s8], [sflag:s22] =	dma.local [hbm:s6], s20  }
0x9f: {  	_ =	swait.ge [sflag:s22], s20  }
0xa0: {  	s5 =	ssub.s32 $0x0, s20;
	[sflag:s22] =	ssyncset.done $0x0  }
0xa1: {  	[sflag:s22] =	ssyncadd.s32 s5;
	_ =	sdelay $0x1  }
0xa2: {  	s23 =	simm.s32 $0x1B8B  }
0xa3: {  	_ =	swait.ge [sflag:s23], $0x1  }
0xa4: {  	[sflag:s23] =	ssyncset.done $0x0  }
0xa5: {  	s25 =	simm.s32 $0x1B8E;
	s24 =	sld [smem:$0x3FFE];
	[sflag:s23] =	ssyncadd.s32 $0xFFFFFFFF  }
0xa6: {  	s26 =	simm.s32 $execute0_lowered;
	[smem:$0x3FD2] =	sst s25  }
0xa7: {  	s6 =	sshll.u32 s26, $0x1;
	_ =	strace $0x80000046;
	[dreg:$0x1] =	wrdreg $0xFFFFFFFF  }
0xa8: {  	s28 =	simm.s32 $_size_execute0_lowered;
	s4 =	sadd.s32 s4, s6;
	[dreg:$0x0] =	wrdreg $0x0  }
0xa9: {  	s6 =	sshll.u32 s28, $0x1;
	[dreg:$0x2] =	wrdreg s4  }
0xaa: {  	[dreg:$0x3] =	wrdreg s6  }
0xab: {  	[dreg:$0x4] =	wrdreg $0xC0  }
0xac: {  	_ =	task [dreg:s8], $0x5FFFF  }
0xad: {  	[dreg:$0x1] =	wrdreg $0xFFFFFFFF  }
0xae: {  	[dreg:$0x0] =	wrdreg $0x60  }
0xaf: {  	[dreg:$0x2] =	wrdreg s2  }
0xb0: {  	[dreg:$0x3] =	wrdreg s24  }
0xb1: {  	[dreg:$0x4] =	wrdreg s18  }
0xb2: {  	[dreg:$0x5] =	wrdreg $0x9  }
0xb3: {  	_ =	task.clear_ibuf [dreg:s8], $0x6FFFF;
	_ =	strace $0x90000046  }
0xb4: {  	s29 =	simm.s32 $0x9;
	_ =	strace $0x80000048  }
0xb5: {  	_ =	swait.ge [sflag:s29], $0x1  }
0xb6: {  	[sflag:s29] =	ssyncadd.s32 $0xFFFFFFFF  }
0xb7: {  	_ =	strace $0x90000048  }
0xb8: {  	_ =	sfence  }
0xb9: {  	s30 =	sld [smem:$0x0];
	_ =	sdelay $0x2  }
0xba: {  	s31 =	sshll.u32 s1, $0xD;
	s1 =	sshrl.u32 s1, $0x2  }
0xbb: {  	s3 =	sand.u32 $0x4000, s31;
	s1 =	sadd.s32 s1, s30  }
0xbc: {  	s0 =	sor.u32 s3, s0;
	s1 =	sshll.u32 s1, $0x11  }
0xbd: {  	s0 =	sor.u32 s1, s0  }
0xbe: {  	s0 =	sadd.s32 $0x8F2B, s0  }
0xbf: {  	[sflag:s0] =	ssyncadd.remote.s32 $0x1  }
0xc0: {  	_ =	sfence.sel $0xFFFF  }
0xc1: {  	[dreg:$0x0] =	wrdreg $0xFFFFFFFF;
	(pc) =	sbr.abs _section_cstart, $3  }
0xc2: {  	[dreg:$0x1] =	wrdreg $0xFFFFFFFF  }
0xc3: {  	_ =	task.clear_ibuf [dreg:s8], $0x2FFFF;
	_ =	strace $0x9FFFFFFF  }
0xc4: {  	(tm) =	ssettm $0x7FFFFFFF  }
0xc5: {  	_ =	shalt  }
tec
execute0_lowered:
.L_overlay_start_1:
0x0: {  	(tag) =	ssettag $0x1  }
0x1: {  	s1 =	rddreg [dreg:$0x0]  }
0x2: {  	s0 =	rddreg [dreg:$0x1]  }
0x3: {  	s2 =	rddreg [dreg:$0x2];
	s3 =	simm.s32 $0x0;
	s5 =	srdreg.scid  }
0x4: {  	s12 =	simm.s32 $0x8080;
	s13 =	simm.s32 $0x9180;
	s14 =	simm.s32 $0xA280  }
0x5: {  	s15 =	simm.s32 $0xB380;
	s16 =	simm.s32 $0x1;
	s17 =	simm.s32 $0x4  }
0x6: {  	s18 =	simm.s32 $0x0;
	[smem:$0x7FF] =	sst s3;
	s4 =	sadd.s32 $0x1C00, s0  }
0x7: {  	s6 =	sadd.s32 $0x1800, s0;
	s7 =	sadd.s32 $0x1400, s0;
	s8 =	sand.u32 $0x1, s5  }
0x8: {  	v0 =	vlaneseq.u32;
	s5 =	stileid.u32;
	s9 =	ssub.s32 $0x2, s8;
	s10 =	sshll.u32 s8, $0x4  }
0x9: {  	v1 =	vor.u32 $0x10, v0;
	s8 =	sadd.s32 $0x1000, s0;
	s31 =	sshrl.u32 s9, $0x1;
	s10 =	sor.u32 s5, s10  }
0xa: {  	v2 =	vor.u32 $0x20, v0;
	v3 =	vor.u32 $0x30, v0;
	v4 =	vor.u32 $0x40, v0;
	s0 =	ssub.s32 s9, s31;
	s9 =	sshll.u32 s10, $0x6;
	s10 =	sshll.u32 s10, $0x11  }
0xb: {  	v5 =	vor.u32 $0x50, v0;
	v6 =	vor.u32 $0x60, v0;
	v7 =	vor.u32 $0x70, v0;
	_ =	strace $0x80000047;
	s10 =	sadd.s32 s1, s10;
	s11 =	smax.u32 s0, $0x1  }
.LBB2_1:
0xc: {  	[tilespmem:s3], [sflag:$0x1] =	stream.linear.gather [hbm4b:s4+s3], $0x8080, $0x38;
	[tilespmem:$0x1B380] =	vst v63  }
0xd: {  	_ =	swait.ge [sflag:s16], $0x8080  }
0xe: {  	[sflag:s16] =	ssyncset.done $0x0  }
0xf: {  	[sflag:s16] =	ssyncadd.s32 $0xFFFF7F80  }
0x10: {  	[tilespmem:s12], [sflag:$0x1] =	stream.linear.gather [hbm4b:s6+s3], $0x1100, $0x38;
	[tilespmem:$0x1B380] =	vst v63  }
0x11: {  	_ =	swait.ge [sflag:s16], $0x1100  }
0x12: {  	[sflag:s16] =	ssyncset.done $0x0  }
0x13: {  	[sflag:s16] =	ssyncadd.s32 $0xFFFFEF00  }
0x14: {  	[tilespmem:s13], [sflag:$0x1] =	stream.linear.gather [hbm4b:s7+s3], $0x1100, $0x38;
	[tilespmem:$0x1B380] =	vst v63  }
0x15: {  	_ =	swait.ge [sflag:s16], $0x1100  }
0x16: {  	[sflag:s16] =	ssyncset.done $0x0  }
0x17: {  	[sflag:s16] =	ssyncadd.s32 $0xFFFFEF00  }
0x18: {  	[tilespmem:s14], [sflag:$0x1] =	stream.linear.gather [hbm4b:s8+s3], $0x1100, $0x38;
	[tilespmem:$0x1B380] =	vst v63  }
0x19: {  	s19 =	simm.s32 $0x0;
	s20 =	simm.s32 $0x0;
	_ =	swait.ge [sflag:s16], $0x1100  }
0x1a: {  	s21 =	simm.s32 $0x0;
	s22 =	simm.s32 $0x0;
	[sflag:s16] =	ssyncset.done $0x0  }
0x1b: {  	s23 =	simm.s32 $0x1;
	s24 =	simm.s32 $0x0;
	[sflag:s16] =	ssyncadd.s32 $0xFFFFEF00  }
0x1c: {  	[tilespmem:s15], [sflag:$0x1] =	stream.linear.gather [hbm4b:s10+s3], $0x4000, $0x38;
	[tilespmem:$0x1B380] =	vst v63  }
.LBB2_2:
0x1d: {  	s26 =	smov.u32 s19;
	s19 =	sadd.s32 $0x1, s19  }
0x1e: {  	p0 =	seq.s32 s19, $0x40  }
0x1f: {  	s19 =	simm.s32 @p0 $0x0  }
0x20: {  	p6 =	sne.s32 s24, $0x3F;
	p1 =	sne.s32 s26, s19  }
0x21: {  	p0 =	por !p6, !p1  }
0x22: {  	p0 =	por !p0, !p0  }
0x23: {  	s25 =	sadd.s32 @p0 s9, s19  }
0x24: {  	s0 =	sand.u32 @p0 $0x1, s23;
	s25 =	sshll.u32 @p0 s25, $0xB  }
0x25: {  	s29 =	simm.s32 @p0 $0x0;
	s28 =	sshll.u32 @p0 s0, $0xE;
	s25 =	sand.u32 @p0 $0x1FFFF800, s25  }
0x26: {  	s0 =	sadd.s32 @p0 $0x1, s0;
	s28 =	sor.u32 @p0 $0xB380, s28;
	s25 =	sadd.s32 @p0 s1, s25  }
0x27: {  	[tilespmem:s28], [sflag:s0] =	stream.linear.gather @p0 [hbm4b:s25+s29], $0x4000, $0x38;
	[tilespmem:$0x1B380] =	vst v63  }
0x28: {  	s0 =	sand.u32 $0x1, s22  }
0x29: {  	s25 =	sadd.s32 $0x1, s0  }
0x2a: {  	_ =	swait.ge [sflag:s25], $0x4000  }
0x2b: {  	s0 =	sshll.u32 s0, $0xE;
	[sflag:s25] =	ssyncset.done $0x0  }
0x2c: {  	s0 =	sor.u32 $0xB3C0, s0;
	[sflag:s25] =	ssyncadd.s32 $0xFFFFC000  }
0x2d: {  	v23 =	vld [tilespmem:s0+$0x30]  }
0x2e: {  	v19 =	vld [tilespmem:s0+$0xFFFFFFD0]  }
0x2f: {  	v16 =	vld [tilespmem:s0+$0xFFFFFFE0]  }
0x30: {  	v17 =	vld [tilespmem:s0+$0xFFFFFFF0]  }
0x31: {  	v20 =	vld [tilespmem:s0+$0xFFFFFFC0]  }
0x32: {  	v18 =	vld [tilespmem:s0+$0x0];
	_ =	sdelay $0x1  }
0x33: {  	v8 =	vmul.f32 $1.024000020e+02, v23  }
0x34: {  	v9 =	vmul.f32 $1.024000020e+02, v19;
	v10 =	vmul.f32 $1.024000020e+02, v16  }
0x35: {  	v11 =	vmul.f32 $1.024000020e+02, v17;
	v12 =	vmul.f32 $1.024000020e+02, v20  }
0x36: {  	v13 =	vmul.f32 $1.024000020e+02, v18;
	v8 =	vadd.f32 $1.025000000e+03, v8;
	v9 =	vadd.f32 $1.025000000e+03, v9  }
0x37: {  	v10 =	vadd.f32 $1.025000000e+03, v10;
	v11 =	vadd.f32 $1.025000000e+03, v11  }
0x38: {  	v12 =	vadd.f32 $1.025000000e+03, v12;
	v13 =	vadd.f32 $1.025000000e+03, v13;
	v8 =	vmax.f32 v8, $0.0e+00  }
0x39: {  	v9 =	vmax.f32 v9, $0.0e+00;
	v10 =	vmax.f32 v10, $0.0e+00;
	v11 =	vmax.f32 v11, $0.0e+00  }
0x3a: {  	v12 =	vmax.f32 v12, $0.0e+00;
	v13 =	vmax.f32 v13, $0.0e+00;
	v8 =	vmin.f32 v8, $2.049000000e+03  }
0x3b: {  	v9 =	vmin.f32 v9, $2.049000000e+03;
	v12 =	vmin.f32 v12, $2.049000000e+03;
	v8 =	vtrunc.f32 v8  }
0x3c: {  	v10 =	vmin.f32 v10, $2.049000000e+03;
	v12 =	vtrunc.f32 v12;
	v9 =	vtrunc.f32 v9  }
0x3d: {  	v11 =	vmin.f32 v11, $2.049000000e+03;
	v10 =	vtrunc.f32 v10;
	v8 =	vcvt.f32.s32 v8  }
0x3e: {  	v13 =	vmin.f32 v13, $2.049000000e+03;
	v11 =	vtrunc.f32 v11;
	v12 =	vcvt.f32.s32 v12  }
0x3f: {  	v13 =	vtrunc.f32 v13;
	v9 =	vcvt.f32.s32 v9;
	v8 =	vshll.u32 v8, $0x4  }
0x40: {  	v10 =	vcvt.f32.s32 v10;
	v12 =	vshll.u32 v12, $0x4;
	v8 =	vor.u32 v0, v8  }
0x41: {  	v22 =	vld [tilespmem:s0+$0x20];
	v11 =	vcvt.f32.s32 v11;
	v9 =	vshll.u32 v9, $0x4;
	v12 =	vor.u32 v0, v12  }
0x42: {  	v21 =	vld [tilespmem:s0+$0x10];
	v13 =	vcvt.f32.s32 v13;
	v10 =	vshll.u32 v10, $0x4;
	v9 =	vor.u32 v0, v9  }
0x43: {  	v11 =	vshll.u32 v11, $0x4;
	v10 =	vor.u32 v0, v10  }
0x44: {  	v13 =	vshll.u32 v13, $0x4;
	v11 =	vor.u32 v0, v11  }
0x45: {  	v13 =	vor.u32 v0, v13;
	v8 =	vld.idx.msk [tilespmem:v8+s3+$0x0], $0xffff  }
0x46: {  	v25 =	vmul.f32 $1.024000020e+02, v22;
	v12 =	vld.idx.msk [tilespmem:v12+s3+$0x0], $0xffff  }
0x47: {  	v15 =	vmul.f32 $1.024000020e+02, v21;
	v26 =	vld.idx.msk [tilespmem:v9+s3+$0x0], $0xffff  }
0x48: {  	v9 =	vadd.f32 $1.025000000e+03, v25;
	v25 =	vld.idx.msk [tilespmem:v10+s3+$0x0], $0xffff  }
0x49: {  	v15 =	vadd.f32 $1.025000000e+03, v15;
	v28 =	vld.idx.msk [tilespmem:v11+s3+$0x0], $0xffff  }
0x4a: {  	s0 =	sadd.s32 $0x80, s0;
	v29 =	vld.idx.msk [tilespmem:v13+s3+$0x0], $0xffff  }
0x4b: {  	v10 =	vmax.f32 v15, $0.0e+00;
	v15 =	vld [tilespmem:s0+$0x30];
	v8 =	vadd.s32 v7, v8  }
0x4c: {  	v11 =	vld [tilespmem:s0+$0x10]  }
0x4d: {  	v13 =	vld [tilespmem:s0+$0xFFFFFFD0]  }
0x4e: {  	v32 =	vadd.s32 v0, v12  }
0x4f: {  	v26 =	vadd.s32 v1, v26;
	v12 =	vld [tilespmem:s0+$0x20]  }
0x50: {  	v25 =	vadd.s32 v2, v25;
	v14 =	vld.idx.msk [tilespmem:v8+s12+$0x0], $0xffff  }
0x51: {  	v33 =	vmul.f32 $1.024000020e+02, v15;
	v38 =	vmul.f32 $1.024000020e+02, v11;
	v24 =	vld.idx.msk [tilespmem:v8+s13+$0x0], $0xffff  }
0x52: {  	v34 =	vmul.f32 $1.024000020e+02, v13;
	v27 =	vld.idx.msk [tilespmem:v8+s14+$0x0], $0xffff  }
0x53: {  	v33 =	vadd.f32 $1.025000000e+03, v33;
	v38 =	vadd.f32 $1.025000000e+03, v38;
	v37 =	vld.idx.msk [tilespmem:v32+s12+$0x0], $0xffff  }
0x54: {  	v34 =	vadd.f32 $1.025000000e+03, v34;
	v8 =	vmax.f32 v9, $0.0e+00;
	v9 =	vmin.f32 v10, $2.049000000e+03;
	v39 =	vld.idx.msk [tilespmem:v26+s12+$0x0], $0xffff  }
0x55: {  	v33 =	vmax.f32 v33, $0.0e+00;
	v38 =	vmax.f32 v38, $0.0e+00;
	v40 =	vld.idx.msk [tilespmem:v25+s12+$0x0], $0xffff;
	v9 =	vtrunc.f32 v9  }
0x56: {  	v33 =	vmin.f32 v33, $2.049000000e+03;
	v41 =	vmul.f32 $1.024000020e+02, v12;
	v45 =	vld.idx.msk [tilespmem:v32+s13+$0x0], $0xffff;
	v9 =	vcvt.f32.s32 v9  }
0x57: {  	v46 =	vld.idx.msk [tilespmem:v26+s13+$0x0], $0xffff;
	v38 =	vmin.f32 v38, $2.049000000e+03;
	v8 =	vmin.f32 v8, $2.049000000e+03;
	v33 =	vtrunc.f32 v33  }
0x58: {  	v47 =	vld.idx.msk [tilespmem:v25+s13+$0x0], $0xffff;
	v8 =	vtrunc.f32 v8;
	v33 =	vcvt.f32.s32 v33;
	v9 =	vshll.u32 v9, $0x4  }
0x59: {  	v50 =	vld.idx.msk [tilespmem:v26+s14+$0x0], $0xffff;
	v41 =	vadd.f32 $1.025000000e+03, v41;
	v10 =	vcvt.f32.s32 v8;
	v30 =	vor.u32 v0, v9  }
0x5a: {  	v38 =	vtrunc.f32 v38;
	v8 =	vld [tilespmem:s0+$0xFFFFFFE0];
	v33 =	vshll.u32 v33, $0x4;
	v14 =	vmul.f32 v14, v23  }
0x5b: {  	v41 =	vmax.f32 v41, $0.0e+00;
	v10 =	vshll.u32 v10, $0x4;
	v9 =	vld [tilespmem:s0+$0xFFFFFFF0];
	v33 =	vor.u32 v0, v33  }
0x5c: {  	v41 =	vmin.f32 v41, $2.049000000e+03;
	v31 =	vor.u32 v0, v10;
	v10 =	vld [tilespmem:s0+$0x0];
	v24 =	vadd.f32 v24, v14  }
0x5d: {  	v34 =	vmax.f32 v34, $0.0e+00;
	v38 =	vcvt.f32.s32 v38;
	v26 =	vtrunc.f32 v41;
	v14 =	vld [tilespmem:s0+$0xFFFFFFC0]  }
0x5e: {  	v23 =	vmul.f32 v24, v23;
	v24 =	vadd.s32 v3, v28;
	v28 =	vadd.s32 v4, v29;
	v29 =	vld.idx.msk [tilespmem:v30+s3+$0x0], $0xffff  }
0x5f: {  	v34 =	vmin.f32 v34, $2.049000000e+03;
	v32 =	vld.idx.msk [tilespmem:v32+s14+$0x0], $0xffff;
	v26 =	vcvt.f32.s32 v26  }
0x60: {  	v34 =	vtrunc.f32 v34;
	v38 =	vshll.u32 v38, $0x4;
	v41 =	vld.idx.msk [tilespmem:v25+s14+$0x0], $0xffff;
	v30 =	vmul.f32 $1.024000020e+02, v8  }
0x61: {  	v53 =	vshll.u32 v26, $0x4;
	v35 =	vmul.f32 $1.024000020e+02, v9;
	v33 =	vld.idx.msk [tilespmem:v33+s3+$0x0], $0xffff;
	v36 =	vmul.f32 $1.024000020e+02, v10  }
0x62: {  	v31 =	vld.idx.msk [tilespmem:v31+s3+$0x0], $0xffff;
	v23 =	vadd.f32 v23, v27;
	v27 =	vcvt.f32.s32 v34;
	v30 =	vadd.f32 $1.025000000e+03, v30  }
0x63: {  	v35 =	vadd.f32 $1.025000000e+03, v35;
	v42 =	vmul.f32 $1.024000020e+02, v14;
	v43 =	vld.idx.msk [tilespmem:v24+s12+$0x0], $0xffff;
	v29 =	vadd.s32 v5, v29  }
0x64: {  	v36 =	vadd.f32 $1.025000000e+03, v36;
	v27 =	vshll.u32 v27, $0x4;
	v30 =	vmax.f32 v30, $0.0e+00;
	v44 =	vld.idx.msk [tilespmem:v28+s12+$0x0], $0xffff  }
0x65: {  	v42 =	vadd.f32 $1.025000000e+03, v42;
	v35 =	vmax.f32 v35, $0.0e+00;
	v48 =	vld.idx.msk [tilespmem:v24+s13+$0x0], $0xffff;
	v30 =	vmin.f32 v30, $2.049000000e+03  }
0x66: {  	v49 =	vld.idx.msk [tilespmem:v28+s13+$0x0], $0xffff;
	v54 =	vor.u32 v0, v27;
	v27 =	vmul.f32 v37, v20;
	v30 =	vtrunc.f32 v30  }
0x67: {  	v55 =	vld.idx.msk [tilespmem:v24+s14+$0x0], $0xffff;
	v35 =	vmin.f32 v35, $2.049000000e+03;
	v33 =	vadd.s32 v7, v33;
	v25 =	vcvt.f32.s32 v30  }
0x68: {  	v42 =	vmax.f32 v42, $0.0e+00;
	v31 =	vadd.s32 v6, v31;
	v35 =	vtrunc.f32 v35;
	v61 =	vld.idx.msk [tilespmem:v29+s12+$0x0], $0xffff  }
0x69: {  	v42 =	vmin.f32 v42, $2.049000000e+03;
	v60 =	vcvt.f32.s32 v35;
	v25 =	vshll.u32 v25, $0x4;
	v51 =	vld.idx.msk [tilespmem:v29+s13+$0x0], $0xffff  }
0x6a: {  	v36 =	vmax.f32 v36, $0.0e+00;
	v42 =	vtrunc.f32 v42;
	v56 =	vor.u32 v0, v25;
	v25 =	vld.idx.msk [tilespmem:v28+s14+$0x0], $0xffff  }
0x6b: {  	v36 =	vmin.f32 v36, $2.049000000e+03;
	v42 =	vcvt.f32.s32 v42;
	v34 =	vshll.u32 v60, $0x4;
	v26 =	vld.idx.msk [tilespmem:v29+s14+$0x0], $0xffff  }
0x6c: {  	v24 =	vor.u32 v0, v53;
	v36 =	vtrunc.f32 v36;
	v57 =	vor.u32 v0, v34;
	v34 =	vld.idx.msk [tilespmem:v33+s12+$0x0], $0xffff  }
0x6d: {  	v36 =	vcvt.f32.s32 v36;
	v28 =	vmul.f32 v39, v19;
	v30 =	vshll.u32 v42, $0x4;
	v62 =	vld.idx.msk [tilespmem:v31+s12+$0x0], $0xffff  }
0x6e: {  	v45 =	vadd.f32 v45, v27;
	v63 =	vmul.f32 v43, v17;
	v58 =	vld.idx.msk [tilespmem:v33+s13+$0x0], $0xffff;
	v30 =	vor.u32 v0, v30  }
0x6f: {  	v36 =	vshll.u32 v36, $0x4;
	v29 =	vmul.f32 v40, v16;
	v52 =	vld.idx.msk [tilespmem:v31+s13+$0x0], $0xffff;
	v28 =	vadd.f32 v46, v28  }
0x70: {  	s25 =	sand.u32 $0x1, s21;
	v20 =	vmul.f32 v45, v20;
	v53 =	vmul.f32 v44, v18;
	v36 =	vor.u32 v0, v36;
	v27 =	vld.idx.msk [tilespmem:v31+s14+$0x0], $0xffff  }
0x71: {  	s30 =	sshll.u32 s25, $0xE;
	v37 =	vadd.f32 v48, v63;
	v59 =	vadd.f32 v47, v29;
	v19 =	vmul.f32 v28, v19;
	v28 =	vld.idx.msk [tilespmem:v33+s14+$0x0], $0xffff  }
0x72: {  	s29 =	sor.u32 $0x133C0, s30;
	v35 =	vmul.f32 v61, v21;
	v31 =	vmul.f32 v62, v22;
	v62 =	vadd.f32 v20, v32;
	v32 =	vld.idx.msk [tilespmem:v57+s3+$0x0], $0xffff  }
0x73: {  	[tilespmem:s29+$0x30] =	vst v23;
	v23 =	vor.u32 v0, v38;
	v60 =	vadd.f32 v49, v53;
	v29 =	vld.idx.msk [tilespmem:v30+s3+$0x0], $0xffff  }
0x74: {  	v37 =	vmul.f32 v37, v17;
	v16 =	vmul.f32 v59, v16;
	v30 =	vld.idx.msk [tilespmem:v54+s3+$0x0], $0xffff;
	v35 =	vadd.f32 v51, v35  }
0x75: {  	v63 =	vmul.f32 v34, v15;
	v34 =	vadd.f32 v19, v50;
	v61 =	vadd.f32 v52, v31;
	v31 =	vld.idx.msk [tilespmem:v56+s3+$0x0], $0xffff  }
0x76: {  	s31 =	simm.s32 $0x8;
	s28 =	sadd.s32 s9, s26;
	v20 =	vmul.f32 v60, v18;
	v18 =	vadd.f32 v16, v41;
	v33 =	vld.idx.msk [tilespmem:v36+s3+$0x0], $0xffff;
	v21 =	vmul.f32 v35, v21  }
0x77: {  	s26 =	sor.u32 $0x13380, s30;
	s30 =	smov.u32 s29;
	s0 =	sadd.s32 $0x80, s0;
	v19 =	vadd.f32 v37, v55;
	[tilespmem:s29+$0xFFFFFFC0] =	vst v62;
	v17 =	vmul.f32 v61, v22;
	v22 =	vadd.f32 v58, v63  }
.LBB2_3:
0x78: {  	v35 =	vld [tilespmem:s0+$0x30];
	s31 =	sadd.s32 $0x8, s31;
	v29 =	vadd.s32 v0, v29;
	[tilespmem:s29+$0xFFFFFFD0] =	vst v34;
	v25 =	vadd.f32 v20, v25;
	v26 =	vadd.f32 v21, v26  }
0x79: {  	v30 =	vadd.s32 v1, v30;
	v27 =	vadd.f32 v17, v27;
	v16 =	vld [tilespmem:s0+$0xFFFFFFD0];
	p2 =	slt.u32 s31, $0x3F8;
	v15 =	vmul.f32 v22, v15;
	[tilespmem:s29+$0xFFFFFFE0] =	vst v18  }
0x7a: {  	v20 =	vmovc v8;
	v21 =	vmovc v9;
	v17 =	vmov v11;
	v31 =	vadd.s32 v2, v31;
	v18 =	vmov v10;
	[tilespmem:s29+$0xFFFFFFF0] =	vst v19;
	v8 =	vld [tilespmem:s0+$0xFFFFFFE0]  }
0x7b: {  	v22 =	vmov v14;
	v19 =	vmov v12;
	v9 =	vld [tilespmem:s0+$0xFFFFFFF0];
	v34 =	vadd.f32 v15, v28;
	[tilespmem:s29+$0x0] =	vst v25  }
0x7c: {  	v25 =	vadd.s32 v3, v32;
	s29 =	sadd.s32 $0x80, s29;
	v10 =	vld [tilespmem:s0+$0x0];
	[tilespmem:s30+$0x10] =	vst v26  }
0x7d: {  	v28 =	vadd.s32 v4, v33;
	v11 =	vld [tilespmem:s0+$0x10];
	v26 =	vmul.f32 $1.024000020e+02, v35;
	[tilespmem:s29+$0x30] =	vst v34;
	v15 =	vmov v35  }
0x7e: {  	v32 =	vmul.f32 $1.024000020e+02, v16;
	v12 =	vld [tilespmem:s0+$0x20];
	[tilespmem:s30+$0x20] =	vst v27;
	s30 =	smov.u32 s29  }
0x7f: {  	v14 =	vld [tilespmem:s0+$0xFFFFFFC0];
	v27 =	vmul.f32 $1.024000020e+02, v8;
	v26 =	vadd.f32 $1.025000000e+03, v26  }
0x80: {  	v32 =	vadd.f32 $1.025000000e+03, v32;
	v33 =	vmul.f32 $1.024000020e+02, v9;
	v23 =	vld.idx.msk [tilespmem:v23+s3+$0x0], $0xffff  }
0x81: {  	v27 =	vadd.f32 $1.025000000e+03, v27;
	v34 =	vmul.f32 $1.024000020e+02, v10;
	v26 =	vmax.f32 v26, $0.0e+00;
	v24 =	vld.idx.msk [tilespmem:v24+s3+$0x0], $0xffff  }
0x82: {  	v33 =	vadd.f32 $1.025000000e+03, v33;
	v35 =	vmul.f32 $1.024000020e+02, v11;
	v26 =	vmin.f32 v26, $2.049000000e+03;
	v36 =	vld.idx.msk [tilespmem:v29+s12+$0x0], $0xffff  }
0x83: {  	v34 =	vadd.f32 $1.025000000e+03, v34;
	v37 =	vmul.f32 $1.024000020e+02, v12;
	v26 =	vtrunc.f32 v26;
	v38 =	vld.idx.msk [tilespmem:v30+s12+$0x0], $0xffff  }
0x84: {  	v39 =	vmul.f32 $1.024000020e+02, v14;
	v35 =	vadd.f32 $1.025000000e+03, v35;
	v26 =	vcvt.f32.s32 v26;
	v40 =	vld.idx.msk [tilespmem:v31+s12+$0x0], $0xffff  }
0x85: {  	v32 =	vmax.f32 v32, $0.0e+00;
	v27 =	vmax.f32 v27, $0.0e+00;
	v37 =	vadd.f32 $1.025000000e+03, v37;
	v41 =	vld.idx.msk [tilespmem:v25+s12+$0x0], $0xffff  }
0x86: {  	v33 =	vmax.f32 v33, $0.0e+00;
	v39 =	vadd.f32 $1.025000000e+03, v39;
	v26 =	vshll.u32 v26, $0x4;
	v42 =	vld.idx.msk [tilespmem:v28+s12+$0x0], $0xffff  }
0x87: {  	v34 =	vmax.f32 v34, $0.0e+00;
	v35 =	vmax.f32 v35, $0.0e+00;
	v26 =	vor.u32 v0, v26;
	v43 =	vld.idx.msk [tilespmem:v29+s13+$0x0], $0xffff  }
0x88: {  	v32 =	vmin.f32 v32, $2.049000000e+03;
	v37 =	vmax.f32 v37, $0.0e+00;
	v39 =	vmax.f32 v39, $0.0e+00;
	v44 =	vld.idx.msk [tilespmem:v30+s13+$0x0], $0xffff  }
0x89: {  	v27 =	vmin.f32 v27, $2.049000000e+03;
	v33 =	vmin.f32 v33, $2.049000000e+03;
	v39 =	vmin.f32 v39, $2.049000000e+03;
	v45 =	vld.idx.msk [tilespmem:v31+s13+$0x0], $0xffff  }
0x8a: {  	v34 =	vmin.f32 v34, $2.049000000e+03;
	v35 =	vmin.f32 v35, $2.049000000e+03;
	v37 =	vmin.f32 v37, $2.049000000e+03;
	v46 =	vld.idx.msk [tilespmem:v25+s13+$0x0], $0xffff  }
0x8b: {  	v32 =	vtrunc.f32 v32;
	v48 =	vadd.s32 v5, v23;
	v39 =	vtrunc.f32 v39;
	v47 =	vld.idx.msk [tilespmem:v28+s13+$0x0], $0xffff  }
0x8c: {  	v23 =	vtrunc.f32 v27;
	v27 =	vtrunc.f32 v33;
	v33 =	vadd.s32 v6, v24;
	v26 =	vld.idx.msk [tilespmem:v26+s3+$0x0], $0xffff  }
0x8d: {  	v24 =	vtrunc.f32 v34;
	v34 =	vtrunc.f32 v35;
	v35 =	vld.idx.msk [tilespmem:v29+s14+$0x0], $0xffff  }
0x8e: {  	v37 =	vtrunc.f32 v37;
	v29 =	vcvt.f32.s32 v39;
	v39 =	vld.idx.msk [tilespmem:v30+s14+$0x0], $0xffff  }
0x8f: {  	v23 =	vcvt.f32.s32 v23;
	v30 =	vcvt.f32.s32 v32;
	v49 =	vld.idx.msk [tilespmem:v31+s14+$0x0], $0xffff  }
0x90: {  	v27 =	vcvt.f32.s32 v27;
	v24 =	vcvt.f32.s32 v24;
	v29 =	vshll.u32 v29, $0x4;
	v31 =	vld.idx.msk [tilespmem:v48+s12+$0x0], $0xffff  }
0x91: {  	v32 =	vcvt.f32.s32 v34;
	v34 =	vcvt.f32.s32 v37;
	v30 =	vshll.u32 v30, $0x4;
	v37 =	vld.idx.msk [tilespmem:v33+s12+$0x0], $0xffff  }
0x92: {  	v23 =	vshll.u32 v23, $0x4;
	v27 =	vshll.u32 v27, $0x4;
	v50 =	vadd.s32 v7, v26;
	v51 =	vld.idx.msk [tilespmem:v48+s13+$0x0], $0xffff  }
0x93: {  	v24 =	vshll.u32 v24, $0x4;
	v26 =	vshll.u32 v32, $0x4;
	v32 =	vshll.u32 v34, $0x4;
	v34 =	vld.idx.msk [tilespmem:v33+s13+$0x0], $0xffff  }
0x94: {  	v52 =	vor.u32 v0, v23;
	v29 =	vor.u32 v0, v29;
	v30 =	vor.u32 v0, v30;
	v53 =	vld.idx.msk [tilespmem:v25+s14+$0x0], $0xffff  }
0x95: {  	v54 =	vor.u32 v0, v27;
	v55 =	vor.u32 v0, v24;
	v23 =	vor.u32 v0, v26;
	v25 =	vld.idx.msk [tilespmem:v28+s14+$0x0], $0xffff  }
0x96: {  	v27 =	vmul.f32 v36, v22;
	v24 =	vor.u32 v0, v32;
	v28 =	vmul.f32 v38, v13;
	v26 =	vld.idx.msk [tilespmem:v48+s14+$0x0], $0xffff  }
0x97: {  	v36 =	vmul.f32 v40, v20;
	v38 =	vmul.f32 v41, v21;
	v32 =	vld.idx.msk [tilespmem:v50+s12+$0x0], $0xffff  }
0x98: {  	v40 =	vadd.f32 v43, v27;
	v41 =	vmul.f32 v42, v18;
	v31 =	vmul.f32 v31, v17;
	v27 =	vld.idx.msk [tilespmem:v33+s14+$0x0], $0xffff  }
0x99: {  	v28 =	vadd.f32 v44, v28;
	v33 =	vadd.f32 v45, v36;
	v36 =	vmul.f32 v37, v19;
	v42 =	vld.idx.msk [tilespmem:v50+s13+$0x0], $0xffff  }
0x9a: {  	v22 =	vmul.f32 v40, v22;
	v37 =	vadd.f32 v46, v38;
	v38 =	vadd.f32 v47, v41;
	v29 =	vld.idx.msk [tilespmem:v29+s3+$0x0], $0xffff  }
.Ltmp0:
0x9b: {  	v40 =	vadd.f32 v51, v31;
	v13 =	vmul.f32 v28, v13;
	v36 =	vadd.f32 v34, v36;
	v30 =	vld.idx.msk [tilespmem:v30+s3+$0x0], $0xffff;
	(pc) =	sbr.rel @p2 .LBB2_3-.Ltmp0, $4  }
0x9c: {  	v35 =	vadd.f32 v22, v35;
	v22 =	vmul.f32 v33, v20;
	v37 =	vmul.f32 v37, v21;
	v31 =	vld.idx.msk [tilespmem:v52+s3+$0x0], $0xffff  }
0x9d: {  	v20 =	vmul.f32 v38, v18;
	v34 =	vadd.f32 v13, v39;
	v41 =	vmul.f32 v32, v15;
	v28 =	vld.idx.msk [tilespmem:v50+s14+$0x0], $0xffff  }
0x9e: {  	v21 =	vmul.f32 v40, v17;
	v18 =	vadd.f32 v22, v49;
	v17 =	vmul.f32 v36, v19;
	v32 =	vld.idx.msk [tilespmem:v54+s3+$0x0], $0xffff  }
0x9f: {  	s0 =	sadd.s32 $0x80, s0;
	v19 =	vadd.f32 v37, v53;
	v13 =	vmov v16;
	v22 =	vadd.f32 v42, v41;
	v33 =	vld.idx.msk [tilespmem:v55+s3+$0x0], $0xffff;
	[tilespmem:s29+$0xFFFFFFC0] =	vst v35  }
0xa0: {  	_ = 	snop  }
0xa1: {  	v16 =	vadd.s32 v0, v29  }
0xa2: {  	v55 =	vadd.s32 v1, v30;
	_ =	sdelay $0x1  }
0xa3: {  	v23 =	vld.idx.msk [tilespmem:v23+s3+$0x0], $0xffff  }
0xa4: {  	v24 =	vld.idx.msk [tilespmem:v24+s3+$0x0], $0xffff  }
0xa5: {  	v59 =	vld.idx.msk [tilespmem:v16+s12+$0x0], $0xffff  }
0xa6: {  	v56 =	vadd.s32 v2, v31;
	v35 =	vld.idx.msk [tilespmem:v55+s12+$0x0], $0xffff  }
0xa7: {  	v39 =	vld.idx.msk [tilespmem:v16+s13+$0x0], $0xffff  }
0xa8: {  	v40 =	vld.idx.msk [tilespmem:v55+s13+$0x0], $0xffff  }
0xa9: {  	v57 =	vadd.s32 v3, v32;
	v16 =	vld.idx.msk [tilespmem:v16+s14+$0x0], $0xffff  }
0xaa: {  	v62 =	vld.idx.msk [tilespmem:v55+s14+$0x0], $0xffff  }
0xab: {  	v58 =	vadd.s32 v4, v33;
	v36 =	vld.idx.msk [tilespmem:v56+s12+$0x0], $0xffff  }
0xac: {  	v23 =	vadd.s32 v5, v23;
	v41 =	vld.idx.msk [tilespmem:v56+s13+$0x0], $0xffff  }
0xad: {  	v24 =	vadd.s32 v6, v24;
	v45 =	vld.idx.msk [tilespmem:v56+s14+$0x0], $0xffff  }
0xae: {  	[tilespmem:s29+$0xFFFFFFD0] =	vst v34;
	v37 =	vld.idx.msk [tilespmem:v57+s12+$0x0], $0xffff  }
0xaf: {  	v20 =	vadd.f32 v20, v25;
	[tilespmem:s29+$0xFFFFFFE0] =	vst v18;
	v42 =	vld.idx.msk [tilespmem:v57+s13+$0x0], $0xffff  }
0xb0: {  	v61 =	vadd.f32 v21, v26;
	[tilespmem:s29+$0xFFFFFFF0] =	vst v19;
	v38 =	vld.idx.msk [tilespmem:v58+s12+$0x0], $0xffff  }
0xb1: {  	v17 =	vadd.f32 v17, v27;
	v15 =	vmul.f32 v22, v15;
	[tilespmem:s29+$0x0] =	vst v20;
	v63 =	vld.idx.msk [tilespmem:v23+s12+$0x0], $0xffff  }
0xb2: {  	[tilespmem:s30+$0x10] =	vst v61;
	v43 =	vld.idx.msk [tilespmem:v24+s12+$0x0], $0xffff;
	v44 =	vmul.f32 v59, v14;
	v46 =	vmul.f32 v35, v13  }
0xb3: {  	[tilespmem:s30+$0x20] =	vst v17;
	v15 =	vadd.f32 v15, v28;
	v60 =	vld.idx.msk [tilespmem:v58+s13+$0x0], $0xffff  }
0xb4: {  	s0 =	sadd.s32 $0x80, s29;
	v47 =	vld.idx.msk [tilespmem:v23+s13+$0x0], $0xffff;
	v48 =	vmul.f32 v36, v8;
	v21 =	vadd.f32 v39, v44;
	v22 =	vadd.f32 v40, v46  }
0xb5: {  	[tilespmem:s0+$0x30] =	vst v15;
	v49 =	vld.idx.msk [tilespmem:v24+s13+$0x0], $0xffff;
	v50 =	vmul.f32 v37, v9;
	v51 =	vmul.f32 v38, v10  }
0xb6: {  	v52 =	vld.idx.msk [tilespmem:v57+s14+$0x0], $0xffff;
	v25 =	vadd.f32 v41, v48;
	v53 =	vmul.f32 v21, v14;
	v55 =	vmul.f32 v22, v13  }
0xb7: {  	v54 =	vld.idx.msk [tilespmem:v58+s14+$0x0], $0xffff;
	v20 =	vmul.f32 v63, v11;
	v18 =	vmul.f32 v43, v12;
	v27 =	vadd.f32 v42, v50  }
0xb8: {  	v56 =	vld.idx.msk [tilespmem:v23+s14+$0x0], $0xffff;
	v8 =	vmul.f32 v25, v8;
	v57 =	vadd.f32 v60, v51;
	v14 =	vadd.f32 v53, v16  }
0xb9: {  	v58 =	vld.idx.msk [tilespmem:v24+s14+$0x0], $0xffff;
	v13 =	vadd.f32 v55, v62;
	v17 =	vadd.f32 v47, v20;
	v59 =	vmul.f32 v27, v9  }
0xba: {  	v18 =	vadd.f32 v49, v18;
	v8 =	vadd.f32 v8, v45;
	v60 =	vmul.f32 v57, v10;
	[tilespmem:s0+$0xFFFFFFC0] =	vst v14  }
0xbb: {  	[tilespmem:s0+$0xFFFFFFD0] =	vst v13;
	v61 =	vmul.f32 v17, v11;
	v9 =	vadd.f32 v59, v52  }
0xbc: {  	p2 =	seq.s32 s24, $0x3F;
	v62 =	vmul.f32 v18, v12;
	[tilespmem:s0+$0xFFFFFFE0] =	vst v8;
	v10 =	vadd.f32 v60, v54  }
0xbd: {  	p1 =	por p2, p1;
	v8 =	vadd.f32 v61, v56;
	[tilespmem:s0+$0xFFFFFFF0] =	vst v9  }
0xbe: {  	s28 =	sshll.u32 @p1 s28, $0xB;
	s29 =	simm.s32 $0x1;
	v63 =	vadd.f32 v62, v58;
	[tilespmem:s0+$0x0] =	vst v10  }
0xbf: {  	s28 =	sand.u32 @p1 $0x1FFFF800, s28;
	s29 =	simm.s32 @!p0 $0x0;
	[tilespmem:s0+$0x10] =	vst v8  }
0xc0: {  	[tilespmem:s0+$0x20] =	vst v63;
	s0 =	sadd.s32 @p1 $0x3, s25;
	s25 =	sadd.s32 @p1 s2, s28;
	s28 =	simm.s32 @p1 $0x0  }
0xc1: {  	[hbm4b:s25+s28] =	stream.linear.scatter @p1 [tilespmem:s26], [sflag:s0], $0x4000, $0x38;
	[tilespmem:$0x1B380] =	vst v63  }
0xc2: {  	p0 =	seq.s32 s24, $0x0;
	s0 =	simm.s32 $0x1;
	s26 =	simm.s32 $0x1  }
0xc3: {  	s0 =	simm.s32 @!p1 $0x0;
	p1 =	sne.s32 s24, $0x0;
	s24 =	sadd.s32 $0x1, s24  }
0xc4: {  	s26 =	simm.s32 @!p1 $0x0;
	p1 =	sne.s32 s24, $0x40  }
.Ltmp1:
0xc5: {  	s25 =	sand.u32 @!p0 $0x1, s20;
	(pc) =	sbr.rel @p1 .LBB2_2-.Ltmp1, $4  }
0xc6: {  	s25 =	sadd.s32 @!p0 $0x3, s25  }
0xc7: {  	_ =	swait.ge @!p0 [sflag:s25], $0x4000  }
0xc8: {  	s23 =	sadd.s32 s29, s23;
	s21 =	sadd.s32 s0, s21;
	[sflag:s25] =	ssyncset.done @!p0 $0x0  }
0xc9: {  	s22 =	sadd.s32 s0, s22;
	s20 =	sadd.s32 s26, s20;
	[sflag:s25] =	ssyncadd.s32 @!p0 $0xFFFFC000  }
0xca: {  	s18 =	sadd.s32 $0x1, s18  }
0xcb: {  	p0 =	sne.s32 s18, s11  }
.Ltmp2:
0xcc: {  	_ = 	snop;
	(pc) =	sbr.rel @p0 .LBB2_1-.Ltmp2, $4  }
0xcd: {  	_ = 	snop  }
0xce: {  	_ =	swait.ge [sflag:s17], $0x4000  }
0xcf: {  	[sflag:s17] =	ssyncset.done $0x0  }
0xd0: {  	[sflag:s17] =	ssyncadd.s32 $0xFFFFC000  }
0xd1: {  	_ =	sfence.sel $0x180000  }
0xd2: {  	[bflag:$0x0] =	sbarrier.arrive $0xFFFF  }
0xd3: {  	_ =	strace $0x90000047  }
0xd4: {  	[bflag:$0x2] =	sbarrier.arrive $0xFFFF  }
0xd5: {  	p0 =	sne.s32 s5, $0x0;
	s0 =	rddreg [dreg:$0x3]  }
0xd6: {  	s0 =	sadd.s32 @!p0 $0x100000, s0  }
0xd7: {  	[sflag:s0] =	ssyncadd.tile.s32 @!p0 $0x1;
	_ =	shalt  }
.Lfunc_end2:
_tile_overlayer_lowered:
.L_overlay_start_2:
0xd8: {  	(tag) =	ssettag $0x2  }
0xd9: {  	s0 =	rddreg [dreg:$0x0];
	s2 =	stileid.u32  }
0xda: {  	s1 =	rddreg [dreg:$0x1];
	p0 =	sne.s32 s2, $0x0  }
0xdb: {  	s3 =	rddreg [dreg:$0x2];
	[bflag:$0x3] =	sbarrier.arrive $0xFFFF;
	s2 =	simm.s32 @!p0 $0x1C01  }
0xdc: {  	[timem:s3], [sflag:s2] =	dma.local @!p0 [hbm:s0], s1  }
0xdd: {  	s0 =	simm.s32 @!p0 $0x1  }
0xde: {  	_ =	swait.ge @!p0 [sflag:s0], s1  }
0xdf: {  	s1 =	ssub.s32 @!p0 $0x0, s1;
	[sflag:s0] =	ssyncset.done @!p0 $0x0  }
0xe0: {  	[sflag:s0] =	ssyncadd.s32 @!p0 s1  }
0xe1: {  	[bflag:$0x3] =	sbarrier.arrive $0xFFFF  }
0xe2: {  	_ =	shalt  }

</sc_bundles>
